<compile_context>
chip_gen: v7x
topology: tpu7x:2x2x1
jax: 0.10.2.dev20260603
libtpu: 0.0.44.dev20260713+nightly
codegen_flags: <defaults>
</compile_context>

<pallas_src>
import functools

import jax
import jax.numpy as jnp
from jax import lax
from jax.experimental import pallas as pl
from jax.experimental.pallas import tpu as pltpu
from jax.experimental.pallas import tpu_sc as plsc

_B, _C, _S = 256, 768, 196
_NC = 10
_LANE = 16

_SBK = 7
_NRD = 10
_SC_S = _SBK * _NRD
_TC_S = _S - _SC_S
_NW = 32
_BPW = _B // _NW

_SB = 14
_NSTEP = _TC_S // _SB


def _sc_body(f_hbm, out_hbm, buf0, buf1, acc, sem0, sem1):
    cid = lax.axis_index("c")
    sid = lax.axis_index("s")
    wid = sid * 2 + cid
    base = wid * _BPW

    def dma(r, buf, sem):
        return pltpu.make_async_copy(
            f_hbm.at[pl.ds(_TC_S + r * _SBK, _SBK), pl.ds(base, _BPW), :],
            buf, sem)

    def zbody(j, _):
        for r in range(_BPW):
            acc[r, pl.ds(j * _LANE, _LANE)] = jnp.zeros((_LANE,), jnp.float32)
        return 0
    lax.fori_loop(0, _C // _LANE, zbody, 0)

    dma(0, buf0, sem0).start()

    def accumulate(buf):
        def jbody(j, _):
            js = pl.ds(j * _LANE, _LANE)
            for r in range(_BPW):
                x = buf[0, r, js]
                for s in range(1, _SBK):
                    x = x + buf[s, r, js]
                plsc.addupdate(acc.at[r, js], x)
            return 0
        lax.fori_loop(0, _C // _LANE, jbody, 0)

    def outer(i2, _):
        r0 = i2 * 2
        for k in range(2):
            buf = (buf0, buf1)[k]
            sem = (sem0, sem1)[k]
            obuf = (buf1, buf0)[k]
            osem = (sem1, sem0)[k]
            r = r0 + k

            @pl.when(r + 1 < _NRD)
            def _prefetch():
                dma(r + 1, obuf, osem).start()

            dma(r, buf, sem).wait()
            accumulate(buf)
        return 0

    lax.fori_loop(0, _NRD // 2, outer, 0)

    pltpu.sync_copy(acc, out_hbm.at[pl.ds(base, _BPW), :])


_sc_pool = functools.partial(
    pl.kernel,
    out_type=jax.ShapeDtypeStruct((_B, _C), jnp.float32),
    mesh=plsc.VectorSubcoreMesh(core_axis_name="c", subcore_axis_name="s"),
    scratch_types=[
        pltpu.VMEM((_SBK, _BPW, _C), jnp.float32),
        pltpu.VMEM((_SBK, _BPW, _C), jnp.float32),
        pltpu.VMEM((_BPW, _C), jnp.float32),
        pltpu.SemaphoreType.DMA,
        pltpu.SemaphoreType.DMA,
    ],
    cost_estimate=pl.CostEstimate(
        flops=_SC_S * _B * _C,
        bytes_accessed=_SC_S * _B * _C * 4,
        transcendentals=0,
    ),
    compiler_params=pltpu.CompilerParams(skip_device_barrier=True),
)(_sc_body)


def _tc_pool_body(f_ref, o_ref, acc_ref):
    i = pl.program_id(0)
    partial = jnp.sum(f_ref[...], axis=0)

    @pl.when(i == 0)
    def _init():
        acc_ref[...] = partial

    @pl.when(i > 0)
    def _acc():
        acc_ref[...] += partial

    @pl.when(i == _NSTEP - 1)
    def _fin():
        o_ref[...] = acc_ref[...]


def _tc_head(p_ref, q_ref, w_ref, b_ref, o_ref):
    pooled = (p_ref[...] + q_ref[...]) * (1.0 / _S)
    o_ref[...] = jax.lax.dot_general(
        pooled, w_ref[...], (((1,), (1,)), ((), ())),
        preferred_element_type=jnp.float32) + b_ref[...]


def kernel(features, W, b):
    f3 = features.transpose(2, 3, 0, 1).reshape(_S, _B, _C)

    sums_sc = _sc_pool(f3)

    sums_tc = pl.pallas_call(
        _tc_pool_body,
        grid=(_NSTEP,),
        in_specs=[pl.BlockSpec((_SB, _B, _C), lambda i: (i, 0, 0))],
        out_specs=pl.BlockSpec((_B, _C), lambda i: (0, 0)),
        out_shape=jax.ShapeDtypeStruct((_B, _C), jnp.float32),
        scratch_shapes=[pltpu.VMEM((_B, _C), jnp.float32)],
        cost_estimate=pl.CostEstimate(
            flops=_TC_S * _B * _C,
            bytes_accessed=_TC_S * _B * _C * 4,
            transcendentals=0,
        ),
        compiler_params=pltpu.CompilerParams(skip_device_barrier=True),
    )(f3)

    out = pl.pallas_call(
        _tc_head,
        in_specs=[
            pl.BlockSpec((_B, _C), lambda: (0, 0)),
            pl.BlockSpec((_B, _C), lambda: (0, 0)),
            pl.BlockSpec((_NC, _C), lambda: (0, 0)),
            pl.BlockSpec((1, _NC), lambda: (0, 0)),
        ],
        out_specs=pl.BlockSpec((_B, _NC), lambda: (0, 0)),
        out_shape=jax.ShapeDtypeStruct((_B, _NC), jnp.float32),
    )(sums_tc, sums_sc, W, b.reshape(1, _NC))
    return out

# --- scband reference (transcript-rebuilt; emitter-appended) ---
"""Pipeline reference for scband-sem-head-13554916786340 (READ-ONLY COPY).

The authoritative reference and input builder live on the scoring server;
editing this copy changes nothing except your own understanding.
"""

import jax, jax.numpy as jnp
import numpy as np

T = 1.0
NUM_CLUSTER = 10
C = 768

def setup_inputs(seed: int = 0) -> dict:
    key = jax.random.key(seed)
    k1, k2, k3 = jax.random.split(key, 3)
    features = jax.random.normal(k1, (256, C, 14, 14), dtype=jnp.float32)
    # classifier: linear layer mapping C -> num_cluster
    W = jax.random.normal(k2, (NUM_CLUSTER, C), dtype=jnp.float32) * (1.0 / np.sqrt(C))
    b = jnp.zeros((NUM_CLUSTER,), dtype=jnp.float32)
    return {"features": features, "W": W, "b": b}

def reference(features, W, b):
    # SemHead.forward with feature_conv=None, fea_fc=False:
    #   features = AdaptiveAvgPool2d(1)(features).flatten(1)
    #   cluster_score = classifier(features) / T
    pooled = jnp.mean(features, axis=(2, 3))  # [B, C]
    cluster_score = pooled @ W.T + b          # [B, num_cluster]
    cluster_score = cluster_score / T
    return cluster_score

if __name__ == "__main__":
    import jax
    _d = setup_inputs()
    print(jax.jit(kernel)(*tuple(_d.values())))

</pallas_src>

<mosaic_0001>
#map = affine_map<(d0, d1) -> (0, 0, 0)>
#map1 = affine_map<(d0, d1) -> (0, 0)>
module attributes {stable_mosaic.version = 14 : i64} {
  func.func @_sc_body(%arg0: i32, %arg1: i32, %arg2: memref<196x256x768xf32, #tpu.memory_space<hbm>>, %arg3: memref<256x768xf32, #tpu.memory_space<hbm>>, %arg4: memref<7x8x768xf32, #tpu.memory_space<vmem>>, %arg5: memref<7x8x768xf32, #tpu.memory_space<vmem>>, %arg6: memref<8x768xf32, #tpu.memory_space<vmem>>, %arg7: memref<!tpu.dma_semaphore, #tpu.memory_space<semaphore_mem>>, %arg8: memref<!tpu.dma_semaphore, #tpu.memory_space<semaphore_mem>>) attributes {dimension_semantics = [#tpu.dimension_semantics<core_parallel>, #tpu.dimension_semantics<subcore_parallel>], iteration_bounds = array<i64: 2, 16>, scalar_prefetch = 0 : i64, scratch_operands = 5 : i64, tpu.core_type = #tpu.core_type<sc_vector_subcore>, window_params = [{transform_indices = #map}, {transform_indices = #map1}]} {
    %mul3A = arith.constant 2 : i32
    %mul3A_0 = arith.muli %arg1, %mul3A : i32
    %add3A = arith.addi %mul3A_0, %arg0 : i32
    %mul3A_1 = arith.constant 8 : i32
    %mul3A_2 = arith.muli %add3A, %mul3A_1 : i32
    %scan3A = arith.constant 0 : i32
    %scan3A_3 = arith.constant 0 : i32
    %scan3A_4 = arith.constant 48 : i32
    %scan3A_5 = arith.addi %scan3A_3, %scan3A_4 : i32
    %scan3A_6 = arith.constant 1 : i32
    %scan3A_7 = scf.for %scan3A_21 = %scan3A_3 to %scan3A_5 step %scan3A_6 iter_args(%scan3A_22 = %scan3A) -> (i32)  : i32 {
      %broadcast_in_dim3A = arith.constant 0.000000e+00 : f32
      %broadcast_in_dim3A_23 = vector.broadcast %broadcast_in_dim3A : f32 to vector<16xf32>
      %mul3A_24 = arith.constant 16 : i32
      %mul3A_25 = arith.muli %scan3A_21, %mul3A_24 : i32
      %swap3A = arith.constant 0 : i32
      %swap3A_26 = arith.index_cast %swap3A : i32 to index
      %swap3A_27 = arith.index_cast %mul3A_25 : i32 to index
      %swap3A_28 = tpu.vector_load %arg6[%swap3A_26, %swap3A_27] {strides = array<i32>} : memref<8x768xf32, #tpu.memory_space<vmem>>, vector<1x16xf32>,
      %swap3A_29 = vector.shape_cast %swap3A_28 : vector<1x16xf32> to vector<16xf32>
      %swap3A_30 = vector.shape_cast %broadcast_in_dim3A_23 : vector<16xf32> to vector<1x16xf32>
      tpu.vector_store %arg6[%swap3A_26, %swap3A_27], %swap3A_30 {strides = array<i32>} : memref<8x768xf32, #tpu.memory_space<vmem>>, vector<1x16xf32>,
      %broadcast_in_dim3A_31 = arith.constant 0.000000e+00 : f32
      %broadcast_in_dim3A_32 = vector.broadcast %broadcast_in_dim3A_31 : f32 to vector<16xf32>
      %mul3A_33 = arith.constant 16 : i32
      %mul3A_34 = arith.muli %scan3A_21, %mul3A_33 : i32
      %swap3A_35 = arith.constant 1 : i32
      %swap3A_36 = arith.index_cast %swap3A_35 : i32 to index
      %swap3A_37 = arith.index_cast %mul3A_34 : i32 to index
      %swap3A_38 = tpu.vector_load %arg6[%swap3A_36, %swap3A_37] {strides = array<i32>} : memref<8x768xf32, #tpu.memory_space<vmem>>, vector<1x16xf32>,
      %swap3A_39 = vector.shape_cast %swap3A_38 : vector<1x16xf32> to vector<16xf32>
      %swap3A_40 = vector.shape_cast %broadcast_in_dim3A_32 : vector<16xf32> to vector<1x16xf32>
      tpu.vector_store %arg6[%swap3A_36, %swap3A_37], %swap3A_40 {strides = array<i32>} : memref<8x768xf32, #tpu.memory_space<vmem>>, vector<1x16xf32>,
      %broadcast_in_dim3A_41 = arith.constant 0.000000e+00 : f32
      %broadcast_in_dim3A_42 = vector.broadcast %broadcast_in_dim3A_41 : f32 to vector<16xf32>
      %mul3A_43 = arith.constant 16 : i32
      %mul3A_44 = arith.muli %scan3A_21, %mul3A_43 : i32
      %swap3A_45 = arith.constant 2 : i32
      %swap3A_46 = arith.index_cast %swap3A_45 : i32 to index
      %swap3A_47 = arith.index_cast %mul3A_44 : i32 to index
      %swap3A_48 = tpu.vector_load %arg6[%swap3A_46, %swap3A_47] {strides = array<i32>} : memref<8x768xf32, #tpu.memory_space<vmem>>, vector<1x16xf32>,
      %swap3A_49 = vector.shape_cast %swap3A_48 : vector<1x16xf32> to vector<16xf32>
      %swap3A_50 = vector.shape_cast %broadcast_in_dim3A_42 : vector<16xf32> to vector<1x16xf32>
      tpu.vector_store %arg6[%swap3A_46, %swap3A_47], %swap3A_50 {strides = array<i32>} : memref<8x768xf32, #tpu.memory_space<vmem>>, vector<1x16xf32>,
      %broadcast_in_dim3A_51 = arith.constant 0.000000e+00 : f32
      %broadcast_in_dim3A_52 = vector.broadcast %broadcast_in_dim3A_51 : f32 to vector<16xf32>
      %mul3A_53 = arith.constant 16 : i32
      %mul3A_54 = arith.muli %scan3A_21, %mul3A_53 : i32
      %swap3A_55 = arith.constant 3 : i32
      %swap3A_56 = arith.index_cast %swap3A_55 : i32 to index
      %swap3A_57 = arith.index_cast %mul3A_54 : i32 to index
      %swap3A_58 = tpu.vector_load %arg6[%swap3A_56, %swap3A_57] {strides = array<i32>} : memref<8x768xf32, #tpu.memory_space<vmem>>, vector<1x16xf32>,
      %swap3A_59 = vector.shape_cast %swap3A_58 : vector<1x16xf32> to vector<16xf32>
      %swap3A_60 = vector.shape_cast %broadcast_in_dim3A_52 : vector<16xf32> to vector<1x16xf32>
      tpu.vector_store %arg6[%swap3A_56, %swap3A_57], %swap3A_60 {strides = array<i32>} : memref<8x768xf32, #tpu.memory_space<vmem>>, vector<1x16xf32>,
      %broadcast_in_dim3A_61 = arith.constant 0.000000e+00 : f32
      %broadcast_in_dim3A_62 = vector.broadcast %broadcast_in_dim3A_61 : f32 to vector<16xf32>
      %mul3A_63 = arith.constant 16 : i32
      %mul3A_64 = arith.muli %scan3A_21, %mul3A_63 : i32
      %swap3A_65 = arith.constant 4 : i32
      %swap3A_66 = arith.index_cast %swap3A_65 : i32 to index
      %swap3A_67 = arith.index_cast %mul3A_64 : i32 to index
      %swap3A_68 = tpu.vector_load %arg6[%swap3A_66, %swap3A_67] {strides = array<i32>} : memref<8x768xf32, #tpu.memory_space<vmem>>, vector<1x16xf32>,
      %swap3A_69 = vector.shape_cast %swap3A_68 : vector<1x16xf32> to vector<16xf32>
      %swap3A_70 = vector.shape_cast %broadcast_in_dim3A_62 : vector<16xf32> to vector<1x16xf32>
      tpu.vector_store %arg6[%swap3A_66, %swap3A_67], %swap3A_70 {strides = array<i32>} : memref<8x768xf32, #tpu.memory_space<vmem>>, vector<1x16xf32>,
      %broadcast_in_dim3A_71 = arith.constant 0.000000e+00 : f32
      %broadcast_in_dim3A_72 = vector.broadcast %broadcast_in_dim3A_71 : f32 to vector<16xf32>
      %mul3A_73 = arith.constant 16 : i32
      %mul3A_74 = arith.muli %scan3A_21, %mul3A_73 : i32
      %swap3A_75 = arith.constant 5 : i32
      %swap3A_76 = arith.index_cast %swap3A_75 : i32 to index
      %swap3A_77 = arith.index_cast %mul3A_74 : i32 to index
      %swap3A_78 = tpu.vector_load %arg6[%swap3A_76, %swap3A_77] {strides = array<i32>} : memref<8x768xf32, #tpu.memory_space<vmem>>, vector<1x16xf32>,
      %swap3A_79 = vector.shape_cast %swap3A_78 : vector<1x16xf32> to vector<16xf32>
      %swap3A_80 = vector.shape_cast %broadcast_in_dim3A_72 : vector<16xf32> to vector<1x16xf32>
      tpu.vector_store %arg6[%swap3A_76, %swap3A_77], %swap3A_80 {strides = array<i32>} : memref<8x768xf32, #tpu.memory_space<vmem>>, vector<1x16xf32>,
      %broadcast_in_dim3A_81 = arith.constant 0.000000e+00 : f32
      %broadcast_in_dim3A_82 = vector.broadcast %broadcast_in_dim3A_81 : f32 to vector<16xf32>
      %mul3A_83 = arith.constant 16 : i32
      %mul3A_84 = arith.muli %scan3A_21, %mul3A_83 : i32
      %swap3A_85 = arith.constant 6 : i32
      %swap3A_86 = arith.index_cast %swap3A_85 : i32 to index
      %swap3A_87 = arith.index_cast %mul3A_84 : i32 to index
      %swap3A_88 = tpu.vector_load %arg6[%swap3A_86, %swap3A_87] {strides = array<i32>} : memref<8x768xf32, #tpu.memory_space<vmem>>, vector<1x16xf32>,
      %swap3A_89 = vector.shape_cast %swap3A_88 : vector<1x16xf32> to vector<16xf32>
      %swap3A_90 = vector.shape_cast %broadcast_in_dim3A_82 : vector<16xf32> to vector<1x16xf32>
      tpu.vector_store %arg6[%swap3A_86, %swap3A_87], %swap3A_90 {strides = array<i32>} : memref<8x768xf32, #tpu.memory_space<vmem>>, vector<1x16xf32>,
      %broadcast_in_dim3A_91 = arith.constant 0.000000e+00 : f32
      %broadcast_in_dim3A_92 = vector.broadcast %broadcast_in_dim3A_91 : f32 to vector<16xf32>
      %mul3A_93 = arith.constant 16 : i32
      %mul3A_94 = arith.muli %scan3A_21, %mul3A_93 : i32
      %swap3A_95 = arith.constant 7 : i32
      %swap3A_96 = arith.index_cast %swap3A_95 : i32 to index
      %swap3A_97 = arith.index_cast %mul3A_94 : i32 to index
      %swap3A_98 = tpu.vector_load %arg6[%swap3A_96, %swap3A_97] {strides = array<i32>} : memref<8x768xf32, #tpu.memory_space<vmem>>, vector<1x16xf32>,
      %swap3A_99 = vector.shape_cast %swap3A_98 : vector<1x16xf32> to vector<16xf32>
      %swap3A_100 = vector.shape_cast %broadcast_in_dim3A_92 : vector<16xf32> to vector<1x16xf32>
      tpu.vector_store %arg6[%swap3A_96, %swap3A_97], %swap3A_100 {strides = array<i32>} : memref<8x768xf32, #tpu.memory_space<vmem>>, vector<1x16xf32>,
      %scan3A_101 = arith.constant 0 : i32
      scf.yield %scan3A_101 : i32
    }
    %scan3A_8 = arith.constant 48 : i32
    %dma_start3A = arith.constant 126 : i32
    %dma_start3A_9 = arith.constant 0 : i32
    %dma_start3A_10 = tpu.memref_slice %arg2[%dma_start3A, %mul3A_2, %dma_start3A_9] : memref<196x256x768xf32, #tpu.memory_space<hbm>> -> memref<7x8x768xf32, #tpu.memory_space<hbm>>
    %dma_start3A_11 = arith.constant 126 : i32
    %dma_start3A_12 = arith.constant 0 : i32
    %dma_start3A_13 = tpu.memref_slice %arg2[%dma_start3A_11, %mul3A_2, %dma_start3A_12] : memref<196x256x768xf32, #tpu.memory_space<hbm>> -> memref<7x8x768xf32, #tpu.memory_space<hbm>>
    tpu.enqueue_dma source(%dma_start3A_13 : memref<7x8x768xf32, #tpu.memory_space<hbm>>) target(%arg4 : memref<7x8x768xf32, #tpu.memory_space<vmem>>) target_semaphore(%arg7 : memref<!tpu.dma_semaphore, #tpu.memory_space<semaphore_mem>>)
    %scan3A_14 = arith.constant 0 : i32
    %scan3A_15 = arith.constant 0 : i32
    %scan3A_16 = arith.constant 5 : i32
    %scan3A_17 = arith.addi %scan3A_15, %scan3A_16 : i32
    %scan3A_18 = arith.constant 1 : i32
    %scan3A_19 = scf.for %scan3A_21 = %scan3A_15 to %scan3A_17 step %scan3A_18 iter_args(%scan3A_22 = %scan3A_14) -> (i32)  : i32 {
      %mul3A_23 = arith.constant 2 : i32
      %mul3A_24 = arith.muli %scan3A_21, %mul3A_23 : i32
      %add3A_25 = arith.constant 0 : i32
      %add3A_26 = arith.addi %mul3A_24, %add3A_25 : i32
      %add3A_27 = arith.constant 1 : i32
      %add3A_28 = arith.addi %add3A_26, %add3A_27 : i32
      %lt3A = arith.constant 10 : i32
      %lt3A_29 = arith.cmpi slt, %add3A_28, %lt3A : i32
      %convert_element_type3A = arith.extui %lt3A_29 : i1 to i32
      %cond3A = arith.constant 0 : i32
      %cond3A_30 = arith.cmpi ne, %convert_element_type3A, %cond3A : i32
      scf.if %cond3A_30 {
        %add3A_70 = arith.constant 1 : i32
        %add3A_71 = arith.addi %add3A_26, %add3A_70 : i32
        %mul3A_72 = arith.constant 7 : i32
        %mul3A_73 = arith.muli %add3A_71, %mul3A_72 : i32
        %add3A_74 = arith.constant 126 : i32
        %add3A_75 = arith.addi %add3A_74, %mul3A_73 : i32
        %dma_start3A_76 = arith.constant 0 : i32
        %dma_start3A_77 = tpu.memref_slice %arg2[%add3A_75, %mul3A_2, %dma_start3A_76] : memref<196x256x768xf32, #tpu.memory_space<hbm>> -> memref<7x8x768xf32, #tpu.memory_space<hbm>>
        %dma_start3A_78 = arith.constant 0 : i32
        %dma_start3A_79 = tpu.memref_slice %arg2[%add3A_75, %mul3A_2, %dma_start3A_78] : memref<196x256x768xf32, #tpu.memory_space<hbm>> -> memref<7x8x768xf32, #tpu.memory_space<hbm>>
        tpu.enqueue_dma source(%dma_start3A_79 : memref<7x8x768xf32, #tpu.memory_space<hbm>>) target(%arg5 : memref<7x8x768xf32, #tpu.memory_space<vmem>>) target_semaphore(%arg8 : memref<!tpu.dma_semaphore, #tpu.memory_space<semaphore_mem>>)
      } else {
      }
      %mul3A_31 = arith.constant 7 : i32
      %mul3A_32 = arith.muli %add3A_26, %mul3A_31 : i32
      %add3A_33 = arith.constant 126 : i32
      %add3A_34 = arith.addi %add3A_33, %mul3A_32 : i32
      %dma_wait3A = arith.constant 0 : i32
      %dma_wait3A_35 = tpu.memref_slice %arg2[%add3A_34, %mul3A_2, %dma_wait3A] : memref<196x256x768xf32, #tpu.memory_space<hbm>> -> memref<7x8x768xf32, #tpu.memory_space<hbm>>
      %dma_wait3A_36 = arith.constant 0 : i32
      %dma_wait3A_37 = tpu.memref_slice %arg2[%add3A_34, %mul3A_2, %dma_wait3A_36] : memref<196x256x768xf32, #tpu.memory_space<hbm>> -> memref<7x8x768xf32, #tpu.memory_space<hbm>>
      tpu.wait_dma2 semaphore(%arg7 : memref<!tpu.dma_semaphore, #tpu.memory_space<semaphore_mem>>) src(%dma_wait3A_37 : memref<7x8x768xf32, #tpu.memory_space<hbm>>) dst(%arg4 : memref<7x8x768xf32, #tpu.memory_space<vmem>>)
      %scan3A_38 = arith.constant 0 : i32
      %scan3A_39 = arith.constant 0 : i32
      %scan3A_40 = arith.constant 48 : i32
      %scan3A_41 = arith.addi %scan3A_39, %scan3A_40 : i32
      %scan3A_42 = arith.constant 1 : i32
      %scan3A_43 = scf.for %scan3A_70 = %scan3A_39 to %scan3A_41 step %scan3A_42 iter_args(%scan3A_71 = %scan3A_38) -> (i32)  : i32 {
        %mul3A_72 = arith.constant 16 : i32
        %mul3A_73 = arith.muli %scan3A_70, %mul3A_72 : i32
        %get3A = arith.constant 0 : i32
        %get3A_74 = arith.constant 0 : i32
        %get3A_75 = arith.index_cast %get3A : i32 to index
        %get3A_76 = arith.index_cast %get3A_74 : i32 to index
        %get3A_77 = arith.index_cast %mul3A_73 : i32 to index
        %get3A_78 = tpu.vector_load %arg4[%get3A_75, %get3A_76, %get3A_77] {strides = array<i32>} : memref<7x8x768xf32, #tpu.memory_space<vmem>>, vector<1x1x16xf32>,
        %get3A_79 = vector.shape_cast %get3A_78 : vector<1x1x16xf32> to vector<16xf32>
        %get3A_80 = arith.constant 1 : i32
        %get3A_81 = arith.constant 0 : i32
        %get3A_82 = arith.index_cast %get3A_80 : i32 to index
        %get3A_83 = arith.index_cast %get3A_81 : i32 to index
        %get3A_84 = arith.index_cast %mul3A_73 : i32 to index
        %get3A_85 = tpu.vector_load %arg4[%get3A_82, %get3A_83, %get3A_84] {strides = array<i32>} : memref<7x8x768xf32, #tpu.memory_space<vmem>>, vector<1x1x16xf32>,
        %get3A_86 = vector.shape_cast %get3A_85 : vector<1x1x16xf32> to vector<16xf32>
        %add3A_87 = arith.addf %get3A_79, %get3A_86 : vector<16xf32>
        %get3A_88 = arith.constant 2 : i32
        %get3A_89 = arith.constant 0 : i32
        %get3A_90 = arith.index_cast %get3A_88 : i32 to index
        %get3A_91 = arith.index_cast %get3A_89 : i32 to index
        %get3A_92 = arith.index_cast %mul3A_73 : i32 to index
        %get3A_93 = tpu.vector_load %arg4[%get3A_90, %get3A_91, %get3A_92] {strides = array<i32>} : memref<7x8x768xf32, #tpu.memory_space<vmem>>, vector<1x1x16xf32>,
        %get3A_94 = vector.shape_cast %get3A_93 : vector<1x1x16xf32> to vector<16xf32>
        %add3A_95 = arith.addf %add3A_87, %get3A_94 : vector<16xf32>
        %get3A_96 = arith.constant 3 : i32
        %get3A_97 = arith.constant 0 : i32
        %get3A_98 = arith.index_cast %get3A_96 : i32 to index
        %get3A_99 = arith.index_cast %get3A_97 : i32 to index
        %get3A_100 = arith.index_cast %mul3A_73 : i32 to index
        %get3A_101 = tpu.vector_load %arg4[%get3A_98, %get3A_99, %get3A_100] {strides = array<i32>} : memref<7x8x768xf32, #tpu.memory_space<vmem>>, vector<1x1x16xf32>,
        %get3A_102 = vector.shape_cast %get3A_101 : vector<1x1x16xf32> to vector<16xf32>
        %add3A_103 = arith.addf %add3A_95, %get3A_102 : vector<16xf32>
        %get3A_104 = arith.constant 4 : i32
        %get3A_105 = arith.constant 0 : i32
        %get3A_106 = arith.index_cast %get3A_104 : i32 to index
        %get3A_107 = arith.index_cast %get3A_105 : i32 to index
        %get3A_108 = arith.index_cast %mul3A_73 : i32 to index
        %get3A_109 = tpu.vector_load %arg4[%get3A_106, %get3A_107, %get3A_108] {strides = array<i32>} : memref<7x8x768xf32, #tpu.memory_space<vmem>>, vector<1x1x16xf32>,
        %get3A_110 = vector.shape_cast %get3A_109 : vector<1x1x16xf32> to vector<16xf32>
        %add3A_111 = arith.addf %add3A_103, %get3A_110 : vector<16xf32>
        %get3A_112 = arith.constant 5 : i32
        %get3A_113 = arith.constant 0 : i32
        %get3A_114 = arith.index_cast %get3A_112 : i32 to index
        %get3A_115 = arith.index_cast %get3A_113 : i32 to index
        %get3A_116 = arith.index_cast %mul3A_73 : i32 to index
        %get3A_117 = tpu.vector_load %arg4[%get3A_114, %get3A_115, %get3A_116] {strides = array<i32>} : memref<7x8x768xf32, #tpu.memory_space<vmem>>, vector<1x1x16xf32>,
        %get3A_118 = vector.shape_cast %get3A_117 : vector<1x1x16xf32> to vector<16xf32>
        %add3A_119 = arith.addf %add3A_111, %get3A_118 : vector<16xf32>
        %get3A_120 = arith.constant 6 : i32
        %get3A_121 = arith.constant 0 : i32
        %get3A_122 = arith.index_cast %get3A_120 : i32 to index
        %get3A_123 = arith.index_cast %get3A_121 : i32 to index
        %get3A_124 = arith.index_cast %mul3A_73 : i32 to index
        %get3A_125 = tpu.vector_load %arg4[%get3A_122, %get3A_123, %get3A_124] {strides = array<i32>} : memref<7x8x768xf32, #tpu.memory_space<vmem>>, vector<1x1x16xf32>,
        %get3A_126 = vector.shape_cast %get3A_125 : vector<1x1x16xf32> to vector<16xf32>
        %add3A_127 = arith.addf %add3A_119, %get3A_126 : vector<16xf32>
        %swap3A = arith.constant 0 : i32
        %swap3A_128 = arith.index_cast %swap3A : i32 to index
        %swap3A_129 = arith.index_cast %mul3A_73 : i32 to index
        %swap3A_130 = tpu.vector_load %arg6[%swap3A_128, %swap3A_129] {strides = array<i32>} : memref<8x768xf32, #tpu.memory_space<vmem>>, vector<1x16xf32>,
        %swap3A_131 = vector.shape_cast %swap3A_130 : vector<1x16xf32> to vector<16xf32>
        %swap3A_132 = vector.shape_cast %add3A_127 : vector<16xf32> to vector<1x16xf32>
        tpu.vector_store %arg6[%swap3A_128, %swap3A_129], %swap3A_132 {add = true, strides = array<i32>} : memref<8x768xf32, #tpu.memory_space<vmem>>, vector<1x16xf32>,
        %get3A_133 = arith.constant 0 : i32
        %get3A_134 = arith.constant 1 : i32
        %get3A_135 = arith.index_cast %get3A_133 : i32 to index
        %get3A_136 = arith.index_cast %get3A_134 : i32 to index
        %get3A_137 = arith.index_cast %mul3A_73 : i32 to index
        %get3A_138 = tpu.vector_load %arg4[%get3A_135, %get3A_136, %get3A_137] {strides = array<i32>} : memref<7x8x768xf32, #tpu.memory_space<vmem>>, vector<1x1x16xf32>,
        %get3A_139 = vector.shape_cast %get3A_138 : vector<1x1x16xf32> to vector<16xf32>
        %get3A_140 = arith.constant 1 : i32
        %get3A_141 = arith.constant 1 : i32
        %get3A_142 = arith.index_cast %get3A_140 : i32 to index
        %get3A_143 = arith.index_cast %get3A_141 : i32 to index
        %get3A_144 = arith.index_cast %mul3A_73 : i32 to index
        %get3A_145 = tpu.vector_load %arg4[%get3A_142, %get3A_143, %get3A_144] {strides = array<i32>} : memref<7x8x768xf32, #tpu.memory_space<vmem>>, vector<1x1x16xf32>,
        %get3A_146 = vector.shape_cast %get3A_145 : vector<1x1x16xf32> to vector<16xf32>
        %add3A_147 = arith.addf %get3A_139, %get3A_146 : vector<16xf32>
        %get3A_148 = arith.constant 2 : i32
        %get3A_149 = arith.constant 1 : i32
        %get3A_150 = arith.index_cast %get3A_148 : i32 to index
        %get3A_151 = arith.index_cast %get3A_149 : i32 to index
        %get3A_152 = arith.index_cast %mul3A_73 : i32 to index
        %get3A_153 = tpu.vector_load %arg4[%get3A_150, %get3A_151, %get3A_152] {strides = array<i32>} : memref<7x8x768xf32, #tpu.memory_space<vmem>>, vector<1x1x16xf32>,
        %get3A_154 = vector.shape_cast %get3A_153 : vector<1x1x16xf32> to vector<16xf32>
        %add3A_155 = arith.addf %add3A_147, %get3A_154 : vector<16xf32>
        %get3A_156 = arith.constant 3 : i32
        %get3A_157 = arith.constant 1 : i32
        %get3A_158 = arith.index_cast %get3A_156 : i32 to index
        %get3A_159 = arith.index_cast %get3A_157 : i32 to index
        %get3A_160 = arith.index_cast %mul3A_73 : i32 to index
        %get3A_161 = tpu.vector_load %arg4[%get3A_158, %get3A_159, %get3A_160] {strides = array<i32>} : memref<7x8x768xf32, #tpu.memory_space<vmem>>, vector<1x1x16xf32>,
        %get3A_162 = vector.shape_cast %get3A_161 : vector<1x1x16xf32> to vector<16xf32>
        %add3A_163 = arith.addf %add3A_155, %get3A_162 : vector<16xf32>
        %get3A_164 = arith.constant 4 : i32
        %get3A_165 = arith.constant 1 : i32
        %get3A_166 = arith.index_cast %get3A_164 : i32 to index
        %get3A_167 = arith.index_cast %get3A_165 : i32 to index
        %get3A_168 = arith.index_cast %mul3A_73 : i32 to index
        %get3A_169 = tpu.vector_load %arg4[%get3A_166, %get3A_167, %get3A_168] {strides = array<i32>} : memref<7x8x768xf32, #tpu.memory_space<vmem>>, vector<1x1x16xf32>,
        %get3A_170 = vector.shape_cast %get3A_169 : vector<1x1x16xf32> to vector<16xf32>
        %add3A_171 = arith.addf %add3A_163, %get3A_170 : vector<16xf32>
        %get3A_172 = arith.constant 5 : i32
        %get3A_173 = arith.constant 1 : i32
        %get3A_174 = arith.index_cast %get3A_172 : i32 to index
        %get3A_175 = arith.index_cast %get3A_173 : i32 to index
        %get3A_176 = arith.index_cast %mul3A_73 : i32 to index
        %get3A_177 = tpu.vector_load %arg4[%get3A_174, %get3A_175, %get3A_176] {strides = array<i32>} : memref<7x8x768xf32, #tpu.memory_space<vmem>>, vector<1x1x16xf32>,
        %get3A_178 = vector.shape_cast %get3A_177 : vector<1x1x16xf32> to vector<16xf32>
        %add3A_179 = arith.addf %add3A_171, %get3A_178 : vector<16xf32>
        %get3A_180 = arith.constant 6 : i32
        %get3A_181 = arith.constant 1 : i32
        %get3A_182 = arith.index_cast %get3A_180 : i32 to index
        %get3A_183 = arith.index_cast %get3A_181 : i32 to index
        %get3A_184 = arith.index_cast %mul3A_73 : i32 to index
        %get3A_185 = tpu.vector_load %arg4[%get3A_182, %get3A_183, %get3A_184] {strides = array<i32>} : memref<7x8x768xf32, #tpu.memory_space<vmem>>, vector<1x1x16xf32>,
        %get3A_186 = vector.shape_cast %get3A_185 : vector<1x1x16xf32> to vector<16xf32>
        %add3A_187 = arith.addf %add3A_179, %get3A_186 : vector<16xf32>
        %swap3A_188 = arith.constant 1 : i32
        %swap3A_189 = arith.index_cast %swap3A_188 : i32 to index
        %swap3A_190 = arith.index_cast %mul3A_73 : i32 to index
        %swap3A_191 = tpu.vector_load %arg6[%swap3A_189, %swap3A_190] {strides = array<i32>} : memref<8x768xf32, #tpu.memory_space<vmem>>, vector<1x16xf32>,
        %swap3A_192 = vector.shape_cast %swap3A_191 : vector<1x16xf32> to vector<16xf32>
        %swap3A_193 = vector.shape_cast %add3A_187 : vector<16xf32> to vector<1x16xf32>
        tpu.vector_store %arg6[%swap3A_189, %swap3A_190], %swap3A_193 {add = true, strides = array<i32>} : memref<8x768xf32, #tpu.memory_space<vmem>>, vector<1x16xf32>,
        %get3A_194 = arith.constant 0 : i32
        %get3A_195 = arith.constant 2 : i32
        %get3A_196 = arith.index_cast %get3A_194 : i32 to index
        %get3A_197 = arith.index_cast %get3A_195 : i32 to index
        %get3A_198 = arith.index_cast %mul3A_73 : i32 to index
        %get3A_199 = tpu.vector_load %arg4[%get3A_196, %get3A_197, %get3A_198] {strides = array<i32>} : memref<7x8x768xf32, #tpu.memory_space<vmem>>, vector<1x1x16xf32>,
        %get3A_200 = vector.shape_cast %get3A_199 : vector<1x1x16xf32> to vector<16xf32>
        %get3A_201 = arith.constant 1 : i32
        %get3A_202 = arith.constant 2 : i32
        %get3A_203 = arith.index_cast %get3A_201 : i32 to index
        %get3A_204 = arith.index_cast %get3A_202 : i32 to index
        %get3A_205 = arith.index_cast %mul3A_73 : i32 to index
        %get3A_206 = tpu.vector_load %arg4[%get3A_203, %get3A_204, %get3A_205] {strides = array<i32>} : memref<7x8x768xf32, #tpu.memory_space<vmem>>, vector<1x1x16xf32>,
        %get3A_207 = vector.shape_cast %get3A_206 : vector<1x1x16xf32> to vector<16xf32>
        %add3A_208 = arith.addf %get3A_200, %get3A_207 : vector<16xf32>
        %get3A_209 = arith.constant 2 : i32
        %get3A_210 = arith.constant 2 : i32
        %get3A_211 = arith.index_cast %get3A_209 : i32 to index
        %get3A_212 = arith.index_cast %get3A_210 : i32 to index
        %get3A_213 = arith.index_cast %mul3A_73 : i32 to index
        %get3A_214 = tpu.vector_load %arg4[%get3A_211, %get3A_212, %get3A_213] {strides = array<i32>} : memref<7x8x768xf32, #tpu.memory_space<vmem>>, vector<1x1x16xf32>,
        %get3A_215 = vector.shape_cast %get3A_214 : vector<1x1x16xf32> to vector<16xf32>
        %add3A_216 = arith.addf %add3A_208, %get3A_215 : vector<16xf32>
        %get3A_217 = arith.constant 3 : i32
        %get3A_218 = arith.constant 2 : i32
        %get3A_219 = arith.index_cast %get3A_217 : i32 to index
        %get3A_220 = arith.index_cast %get3A_218 : i32 to index
        %get3A_221 = arith.index_cast %mul3A_73 : i32 to index
        %get3A_222 = tpu.vector_load %arg4[%get3A_219, %get3A_220, %get3A_221] {strides = array<i32>} : memref<7x8x768xf32, #tpu.memory_space<vmem>>, vector<1x1x16xf32>,
        %get3A_223 = vector.shape_cast %get3A_222 : vector<1x1x16xf32> to vector<16xf32>
        %add3A_224 = arith.addf %add3A_216, %get3A_223 : vector<16xf32>
        %get3A_225 = arith.constant 4 : i32
        %get3A_226 = arith.constant 2 : i32
        %get3A_227 = arith.index_cast %get3A_225 : i32 to index
        %get3A_228 = arith.index_cast %get3A_226 : i32 to index
        %get3A_229 = arith.index_cast %mul3A_73 : i32 to index
        %get3A_230 = tpu.vector_load %arg4[%get3A_227, %get3A_228, %get3A_229] {strides = array<i32>} : memref<7x8x768xf32, #tpu.memory_space<vmem>>, vector<1x1x16xf32>,
        %get3A_231 = vector.shape_cast %get3A_230 : vector<1x1x16xf32> to vector<16xf32>
        %add3A_232 = arith.addf %add3A_224, %get3A_231 : vector<16xf32>
        %get3A_233 = arith.constant 5 : i32
        %get3A_234 = arith.constant 2 : i32
        %get3A_235 = arith.index_cast %get3A_233 : i32 to index
        %get3A_236 = arith.index_cast %get3A_234 : i32 to index
        %get3A_237 = arith.index_cast %mul3A_73 : i32 to index
        %get3A_238 = tpu.vector_load %arg4[%get3A_235, %get3A_236, %get3A_237] {strides = array<i32>} : memref<7x8x768xf32, #tpu.memory_space<vmem>>, vector<1x1x16xf32>,
        %get3A_239 = vector.shape_cast %get3A_238 : vector<1x1x16xf32> to vector<16xf32>
        %add3A_240 = arith.addf %add3A_232, %get3A_239 : vector<16xf32>
        %get3A_241 = arith.constant 6 : i32
        %get3A_242 = arith.constant 2 : i32
        %get3A_243 = arith.index_cast %get3A_241 : i32 to index
        %get3A_244 = arith.index_cast %get3A_242 : i32 to index
        %get3A_245 = arith.index_cast %mul3A_73 : i32 to index
        %get3A_246 = tpu.vector_load %arg4[%get3A_243, %get3A_244, %get3A_245] {strides = array<i32>} : memref<7x8x768xf32, #tpu.memory_space<vmem>>, vector<1x1x16xf32>,
        %get3A_247 = vector.shape_cast %get3A_246 : vector<1x1x16xf32> to vector<16xf32>
        %add3A_248 = arith.addf %add3A_240, %get3A_247 : vector<16xf32>
        %swap3A_249 = arith.constant 2 : i32
        %swap3A_250 = arith.index_cast %swap3A_249 : i32 to index
        %swap3A_251 = arith.index_cast %mul3A_73 : i32 to index
        %swap3A_252 = tpu.vector_load %arg6[%swap3A_250, %swap3A_251] {strides = array<i32>} : memref<8x768xf32, #tpu.memory_space<vmem>>, vector<1x16xf32>,
        %swap3A_253 = vector.shape_cast %swap3A_252 : vector<1x16xf32> to vector<16xf32>
        %swap3A_254 = vector.shape_cast %add3A_248 : vector<16xf32> to vector<1x16xf32>
        tpu.vector_store %arg6[%swap3A_250, %swap3A_251], %swap3A_254 {add = true, strides = array<i32>} : memref<8x768xf32, #tpu.memory_space<vmem>>, vector<1x16xf32>,
        %get3A_255 = arith.constant 0 : i32
        %get3A_256 = arith.constant 3 : i32
        %get3A_257 = arith.index_cast %get3A_255 : i32 to index
        %get3A_258 = arith.index_cast %get3A_256 : i32 to index
        %get3A_259 = arith.index_cast %mul3A_73 : i32 to index
        %get3A_260 = tpu.vector_load %arg4[%get3A_257, %get3A_258, %get3A_259] {strides = array<i32>} : memref<7x8x768xf32, #tpu.memory_space<vmem>>, vector<1x1x16xf32>,
        %get3A_261 = vector.shape_cast %get3A_260 : vector<1x1x16xf32> to vector<16xf32>
        %get3A_262 = arith.constant 1 : i32
        %get3A_263 = arith.constant 3 : i32
        %get3A_264 = arith.index_cast %get3A_262 : i32 to index
        %get3A_265 = arith.index_cast %get3A_263 : i32 to index
        %get3A_266 = arith.index_cast %mul3A_73 : i32 to index
        %get3A_267 = tpu.vector_load %arg4[%get3A_264, %get3A_265, %get3A_266] {strides = array<i32>} : memref<7x8x768xf32, #tpu.memory_space<vmem>>, vector<1x1x16xf32>,
        %get3A_268 = vector.shape_cast %get3A_267 : vector<1x1x16xf32> to vector<16xf32>
        %add3A_269 = arith.addf %get3A_261, %get3A_268 : vector<16xf32>
        %get3A_270 = arith.constant 2 : i32
        %get3A_271 = arith.constant 3 : i32
        %get3A_272 = arith.index_cast %get3A_270 : i32 to index
        %get3A_273 = arith.index_cast %get3A_271 : i32 to index
        %get3A_274 = arith.index_cast %mul3A_73 : i32 to index
        %get3A_275 = tpu.vector_load %arg4[%get3A_272, %get3A_273, %get3A_274] {strides = array<i32>} : memref<7x8x768xf32, #tpu.memory_space<vmem>>, vector<1x1x16xf32>,
        %get3A_276 = vector.shape_cast %get3A_275 : vector<1x1x16xf32> to vector<16xf32>
        %add3A_277 = arith.addf %add3A_269, %get3A_276 : vector<16xf32>
        %get3A_278 = arith.constant 3 : i32
        %get3A_279 = arith.constant 3 : i32
        %get3A_280 = arith.index_cast %get3A_278 : i32 to index
        %get3A_281 = arith.index_cast %get3A_279 : i32 to index
        %get3A_282 = arith.index_cast %mul3A_73 : i32 to index
        %get3A_283 = tpu.vector_load %arg4[%get3A_280, %get3A_281, %get3A_282] {strides = array<i32>} : memref<7x8x768xf32, #tpu.memory_space<vmem>>, vector<1x1x16xf32>,
        %get3A_284 = vector.shape_cast %get3A_283 : vector<1x1x16xf32> to vector<16xf32>
        %add3A_285 = arith.addf %add3A_277, %get3A_284 : vector<16xf32>
        %get3A_286 = arith.constant 4 : i32
        %get3A_287 = arith.constant 3 : i32
        %get3A_288 = arith.index_cast %get3A_286 : i32 to index
        %get3A_289 = arith.index_cast %get3A_287 : i32 to index
        %get3A_290 = arith.index_cast %mul3A_73 : i32 to index
        %get3A_291 = tpu.vector_load %arg4[%get3A_288, %get3A_289, %get3A_290] {strides = array<i32>} : memref<7x8x768xf32, #tpu.memory_space<vmem>>, vector<1x1x16xf32>,
        %get3A_292 = vector.shape_cast %get3A_291 : vector<1x1x16xf32> to vector<16xf32>
        %add3A_293 = arith.addf %add3A_285, %get3A_292 : vector<16xf32>
        %get3A_294 = arith.constant 5 : i32
        %get3A_295 = arith.constant 3 : i32
        %get3A_296 = arith.index_cast %get3A_294 : i32 to index
        %get3A_297 = arith.index_cast %get3A_295 : i32 to index
        %get3A_298 = arith.index_cast %mul3A_73 : i32 to index
        %get3A_299 = tpu.vector_load %arg4[%get3A_296, %get3A_297, %get3A_298] {strides = array<i32>} : memref<7x8x768xf32, #tpu.memory_space<vmem>>, vector<1x1x16xf32>,
        %get3A_300 = vector.shape_cast %get3A_299 : vector<1x1x16xf32> to vector<16xf32>
        %add3A_301 = arith.addf %add3A_293, %get3A_300 : vector<16xf32>
        %get3A_302 = arith.constant 6 : i32
        %get3A_303 = arith.constant 3 : i32
        %get3A_304 = arith.index_cast %get3A_302 : i32 to index
        %get3A_305 = arith.index_cast %get3A_303 : i32 to index
        %get3A_306 = arith.index_cast %mul3A_73 : i32 to index
        %get3A_307 = tpu.vector_load %arg4[%get3A_304, %get3A_305, %get3A_306] {strides = array<i32>} : memref<7x8x768xf32, #tpu.memory_space<vmem>>, vector<1x1x16xf32>,
        %get3A_308 = vector.shape_cast %get3A_307 : vector<1x1x16xf32> to vector<16xf32>
        %add3A_309 = arith.addf %add3A_301, %get3A_308 : vector<16xf32>
        %swap3A_310 = arith.constant 3 : i32
        %swap3A_311 = arith.index_cast %swap3A_310 : i32 to index
        %swap3A_312 = arith.index_cast %mul3A_73 : i32 to index
        %swap3A_313 = tpu.vector_load %arg6[%swap3A_311, %swap3A_312] {strides = array<i32>} : memref<8x768xf32, #tpu.memory_space<vmem>>, vector<1x16xf32>,
        %swap3A_314 = vector.shape_cast %swap3A_313 : vector<1x16xf32> to vector<16xf32>
        %swap3A_315 = vector.shape_cast %add3A_309 : vector<16xf32> to vector<1x16xf32>
        tpu.vector_store %arg6[%swap3A_311, %swap3A_312], %swap3A_315 {add = true, strides = array<i32>} : memref<8x768xf32, #tpu.memory_space<vmem>>, vector<1x16xf32>,
        %get3A_316 = arith.constant 0 : i32
        %get3A_317 = arith.constant 4 : i32
        %get3A_318 = arith.index_cast %get3A_316 : i32 to index
        %get3A_319 = arith.index_cast %get3A_317 : i32 to index
        %get3A_320 = arith.index_cast %mul3A_73 : i32 to index
        %get3A_321 = tpu.vector_load %arg4[%get3A_318, %get3A_319, %get3A_320] {strides = array<i32>} : memref<7x8x768xf32, #tpu.memory_space<vmem>>, vector<1x1x16xf32>,
        %get3A_322 = vector.shape_cast %get3A_321 : vector<1x1x16xf32> to vector<16xf32>
        %get3A_323 = arith.constant 1 : i32
        %get3A_324 = arith.constant 4 : i32
        %get3A_325 = arith.index_cast %get3A_323 : i32 to index
        %get3A_326 = arith.index_cast %get3A_324 : i32 to index
        %get3A_327 = arith.index_cast %mul3A_73 : i32 to index
        %get3A_328 = tpu.vector_load %arg4[%get3A_325, %get3A_326, %get3A_327] {strides = array<i32>} : memref<7x8x768xf32, #tpu.memory_space<vmem>>, vector<1x1x16xf32>,
        %get3A_329 = vector.shape_cast %get3A_328 : vector<1x1x16xf32> to vector<16xf32>
        %add3A_330 = arith.addf %get3A_322, %get3A_329 : vector<16xf32>
        %get3A_331 = arith.constant 2 : i32
        %get3A_332 = arith.constant 4 : i32
        %get3A_333 = arith.index_cast %get3A_331 : i32 to index
        %get3A_334 = arith.index_cast %get3A_332 : i32 to index
        %get3A_335 = arith.index_cast %mul3A_73 : i32 to index
        %get3A_336 = tpu.vector_load %arg4[%get3A_333, %get3A_334, %get3A_335] {strides = array<i32>} : memref<7x8x768xf32, #tpu.memory_space<vmem>>, vector<1x1x16xf32>,
        %get3A_337 = vector.shape_cast %get3A_336 : vector<1x1x16xf32> to vector<16xf32>
        %add3A_338 = arith.addf %add3A_330, %get3A_337 : vector<16xf32>
        %get3A_339 = arith.constant 3 : i32
        %get3A_340 = arith.constant 4 : i32
        %get3A_341 = arith.index_cast %get3A_339 : i32 to index
        %get3A_342 = arith.index_cast %get3A_340 : i32 to index
        %get3A_343 = arith.index_cast %mul3A_73 : i32 to index
        %get3A_344 = tpu.vector_load %arg4[%get3A_341, %get3A_342, %get3A_343] {strides = array<i32>} : memref<7x8x768xf32, #tpu.memory_space<vmem>>, vector<1x1x16xf32>,
        %get3A_345 = vector.shape_cast %get3A_344 : vector<1x1x16xf32> to vector<16xf32>
        %add3A_346 = arith.addf %add3A_338, %get3A_345 : vector<16xf32>
        %get3A_347 = arith.constant 4 : i32
        %get3A_348 = arith.constant 4 : i32
        %get3A_349 = arith.index_cast %get3A_347 : i32 to index
        %get3A_350 = arith.index_cast %get3A_348 : i32 to index
        %get3A_351 = arith.index_cast %mul3A_73 : i32 to index
        %get3A_352 = tpu.vector_load %arg4[%get3A_349, %get3A_350, %get3A_351] {strides = array<i32>} : memref<7x8x768xf32, #tpu.memory_space<vmem>>, vector<1x1x16xf32>,
        %get3A_353 = vector.shape_cast %get3A_352 : vector<1x1x16xf32> to vector<16xf32>
        %add3A_354 = arith.addf %add3A_346, %get3A_353 : vector<16xf32>
        %get3A_355 = arith.constant 5 : i32
        %get3A_356 = arith.constant 4 : i32
        %get3A_357 = arith.index_cast %get3A_355 : i32 to index
        %get3A_358 = arith.index_cast %get3A_356 : i32 to index
        %get3A_359 = arith.index_cast %mul3A_73 : i32 to index
        %get3A_360 = tpu.vector_load %arg4[%get3A_357, %get3A_358, %get3A_359] {strides = array<i32>} : memref<7x8x768xf32, #tpu.memory_space<vmem>>, vector<1x1x16xf32>,
        %get3A_361 = vector.shape_cast %get3A_360 : vector<1x1x16xf32> to vector<16xf32>
        %add3A_362 = arith.addf %add3A_354, %get3A_361 : vector<16xf32>
        %get3A_363 = arith.constant 6 : i32
        %get3A_364 = arith.constant 4 : i32
        %get3A_365 = arith.index_cast %get3A_363 : i32 to index
        %get3A_366 = arith.index_cast %get3A_364 : i32 to index
        %get3A_367 = arith.index_cast %mul3A_73 : i32 to index
        %get3A_368 = tpu.vector_load %arg4[%get3A_365, %get3A_366, %get3A_367] {strides = array<i32>} : memref<7x8x768xf32, #tpu.memory_space<vmem>>, vector<1x1x16xf32>,
        %get3A_369 = vector.shape_cast %get3A_368 : vector<1x1x16xf32> to vector<16xf32>
        %add3A_370 = arith.addf %add3A_362, %get3A_369 : vector<16xf32>
        %swap3A_371 = arith.constant 4 : i32
        %swap3A_372 = arith.index_cast %swap3A_371 : i32 to index
        %swap3A_373 = arith.index_cast %mul3A_73 : i32 to index
        %swap3A_374 = tpu.vector_load %arg6[%swap3A_372, %swap3A_373] {strides = array<i32>} : memref<8x768xf32, #tpu.memory_space<vmem>>, vector<1x16xf32>,
        %swap3A_375 = vector.shape_cast %swap3A_374 : vector<1x16xf32> to vector<16xf32>
        %swap3A_376 = vector.shape_cast %add3A_370 : vector<16xf32> to vector<1x16xf32>
        tpu.vector_store %arg6[%swap3A_372, %swap3A_373], %swap3A_376 {add = true, strides = array<i32>} : memref<8x768xf32, #tpu.memory_space<vmem>>, vector<1x16xf32>,
        %get3A_377 = arith.constant 0 : i32
        %get3A_378 = arith.constant 5 : i32
        %get3A_379 = arith.index_cast %get3A_377 : i32 to index
        %get3A_380 = arith.index_cast %get3A_378 : i32 to index
        %get3A_381 = arith.index_cast %mul3A_73 : i32 to index
        %get3A_382 = tpu.vector_load %arg4[%get3A_379, %get3A_380, %get3A_381] {strides = array<i32>} : memref<7x8x768xf32, #tpu.memory_space<vmem>>, vector<1x1x16xf32>,
        %get3A_383 = vector.shape_cast %get3A_382 : vector<1x1x16xf32> to vector<16xf32>
        %get3A_384 = arith.constant 1 : i32
        %get3A_385 = arith.constant 5 : i32
        %get3A_386 = arith.index_cast %get3A_384 : i32 to index
        %get3A_387 = arith.index_cast %get3A_385 : i32 to index
        %get3A_388 = arith.index_cast %mul3A_73 : i32 to index
        %get3A_389 = tpu.vector_load %arg4[%get3A_386, %get3A_387, %get3A_388] {strides = array<i32>} : memref<7x8x768xf32, #tpu.memory_space<vmem>>, vector<1x1x16xf32>,
        %get3A_390 = vector.shape_cast %get3A_389 : vector<1x1x16xf32> to vector<16xf32>
        %add3A_391 = arith.addf %get3A_383, %get3A_390 : vector<16xf32>
        %get3A_392 = arith.constant 2 : i32
        %get3A_393 = arith.constant 5 : i32
        %get3A_394 = arith.index_cast %get3A_392 : i32 to index
        %get3A_395 = arith.index_cast %get3A_393 : i32 to index
        %get3A_396 = arith.index_cast %mul3A_73 : i32 to index
        %get3A_397 = tpu.vector_load %arg4[%get3A_394, %get3A_395, %get3A_396] {strides = array<i32>} : memref<7x8x768xf32, #tpu.memory_space<vmem>>, vector<1x1x16xf32>,
        %get3A_398 = vector.shape_cast %get3A_397 : vector<1x1x16xf32> to vector<16xf32>
        %add3A_399 = arith.addf %add3A_391, %get3A_398 : vector<16xf32>
        %get3A_400 = arith.constant 3 : i32
        %get3A_401 = arith.constant 5 : i32
        %get3A_402 = arith.index_cast %get3A_400 : i32 to index
        %get3A_403 = arith.index_cast %get3A_401 : i32 to index
        %get3A_404 = arith.index_cast %mul3A_73 : i32 to index
        %get3A_405 = tpu.vector_load %arg4[%get3A_402, %get3A_403, %get3A_404] {strides = array<i32>} : memref<7x8x768xf32, #tpu.memory_space<vmem>>, vector<1x1x16xf32>,
        %get3A_406 = vector.shape_cast %get3A_405 : vector<1x1x16xf32> to vector<16xf32>
        %add3A_407 = arith.addf %add3A_399, %get3A_406 : vector<16xf32>
        %get3A_408 = arith.constant 4 : i32
        %get3A_409 = arith.constant 5 : i32
        %get3A_410 = arith.index_cast %get3A_408 : i32 to index
        %get3A_411 = arith.index_cast %get3A_409 : i32 to index
        %get3A_412 = arith.index_cast %mul3A_73 : i32 to index
        %get3A_413 = tpu.vector_load %arg4[%get3A_410, %get3A_411, %get3A_412] {strides = array<i32>} : memref<7x8x768xf32, #tpu.memory_space<vmem>>, vector<1x1x16xf32>,
        %get3A_414 = vector.shape_cast %get3A_413 : vector<1x1x16xf32> to vector<16xf32>
        %add3A_415 = arith.addf %add3A_407, %get3A_414 : vector<16xf32>
        %get3A_416 = arith.constant 5 : i32
        %get3A_417 = arith.constant 5 : i32
        %get3A_418 = arith.index_cast %get3A_416 : i32 to index
        %get3A_419 = arith.index_cast %get3A_417 : i32 to index
        %get3A_420 = arith.index_cast %mul3A_73 : i32 to index
        %get3A_421 = tpu.vector_load %arg4[%get3A_418, %get3A_419, %get3A_420] {strides = array<i32>} : memref<7x8x768xf32, #tpu.memory_space<vmem>>, vector<1x1x16xf32>,
        %get3A_422 = vector.shape_cast %get3A_421 : vector<1x1x16xf32> to vector<16xf32>
        %add3A_423 = arith.addf %add3A_415, %get3A_422 : vector<16xf32>
        %get3A_424 = arith.constant 6 : i32
        %get3A_425 = arith.constant 5 : i32
        %get3A_426 = arith.index_cast %get3A_424 : i32 to index
        %get3A_427 = arith.index_cast %get3A_425 : i32 to index
        %get3A_428 = arith.index_cast %mul3A_73 : i32 to index
        %get3A_429 = tpu.vector_load %arg4[%get3A_426, %get3A_427, %get3A_428] {strides = array<i32>} : memref<7x8x768xf32, #tpu.memory_space<vmem>>, vector<1x1x16xf32>,
        %get3A_430 = vector.shape_cast %get3A_429 : vector<1x1x16xf32> to vector<16xf32>
        %add3A_431 = arith.addf %add3A_423, %get3A_430 : vector<16xf32>
        %swap3A_432 = arith.constant 5 : i32
        %swap3A_433 = arith.index_cast %swap3A_432 : i32 to index
        %swap3A_434 = arith.index_cast %mul3A_73 : i32 to index
        %swap3A_435 = tpu.vector_load %arg6[%swap3A_433, %swap3A_434] {strides = array<i32>} : memref<8x768xf32, #tpu.memory_space<vmem>>, vector<1x16xf32>,
        %swap3A_436 = vector.shape_cast %swap3A_435 : vector<1x16xf32> to vector<16xf32>
        %swap3A_437 = vector.shape_cast %add3A_431 : vector<16xf32> to vector<1x16xf32>
        tpu.vector_store %arg6[%swap3A_433, %swap3A_434], %swap3A_437 {add = true, strides = array<i32>} : memref<8x768xf32, #tpu.memory_space<vmem>>, vector<1x16xf32>,
        %get3A_438 = arith.constant 0 : i32
        %get3A_439 = arith.constant 6 : i32
        %get3A_440 = arith.index_cast %get3A_438 : i32 to index
        %get3A_441 = arith.index_cast %get3A_439 : i32 to index
        %get3A_442 = arith.index_cast %mul3A_73 : i32 to index
        %get3A_443 = tpu.vector_load %arg4[%get3A_440, %get3A_441, %get3A_442] {strides = array<i32>} : memref<7x8x768xf32, #tpu.memory_space<vmem>>, vector<1x1x16xf32>,
        %get3A_444 = vector.shape_cast %get3A_443 : vector<1x1x16xf32> to vector<16xf32>
        %get3A_445 = arith.constant 1 : i32
        %get3A_446 = arith.constant 6 : i32
        %get3A_447 = arith.index_cast %get3A_445 : i32 to index
        %get3A_448 = arith.index_cast %get3A_446 : i32 to index
        %get3A_449 = arith.index_cast %mul3A_73 : i32 to index
        %get3A_450 = tpu.vector_load %arg4[%get3A_447, %get3A_448, %get3A_449] {strides = array<i32>} : memref<7x8x768xf32, #tpu.memory_space<vmem>>, vector<1x1x16xf32>,
        %get3A_451 = vector.shape_cast %get3A_450 : vector<1x1x16xf32> to vector<16xf32>
        %add3A_452 = arith.addf %get3A_444, %get3A_451 : vector<16xf32>
        %get3A_453 = arith.constant 2 : i32
        %get3A_454 = arith.constant 6 : i32
        %get3A_455 = arith.index_cast %get3A_453 : i32 to index
        %get3A_456 = arith.index_cast %get3A_454 : i32 to index
        %get3A_457 = arith.index_cast %mul3A_73 : i32 to index
        %get3A_458 = tpu.vector_load %arg4[%get3A_455, %get3A_456, %get3A_457] {strides = array<i32>} : memref<7x8x768xf32, #tpu.memory_space<vmem>>, vector<1x1x16xf32>,
        %get3A_459 = vector.shape_cast %get3A_458 : vector<1x1x16xf32> to vector<16xf32>
        %add3A_460 = arith.addf %add3A_452, %get3A_459 : vector<16xf32>
        %get3A_461 = arith.constant 3 : i32
        %get3A_462 = arith.constant 6 : i32
        %get3A_463 = arith.index_cast %get3A_461 : i32 to index
        %get3A_464 = arith.index_cast %get3A_462 : i32 to index
        %get3A_465 = arith.index_cast %mul3A_73 : i32 to index
        %get3A_466 = tpu.vector_load %arg4[%get3A_463, %get3A_464, %get3A_465] {strides = array<i32>} : memref<7x8x768xf32, #tpu.memory_space<vmem>>, vector<1x1x16xf32>,
        %get3A_467 = vector.shape_cast %get3A_466 : vector<1x1x16xf32> to vector<16xf32>
        %add3A_468 = arith.addf %add3A_460, %get3A_467 : vector<16xf32>
        %get3A_469 = arith.constant 4 : i32
        %get3A_470 = arith.constant 6 : i32
        %get3A_471 = arith.index_cast %get3A_469 : i32 to index
        %get3A_472 = arith.index_cast %get3A_470 : i32 to index
        %get3A_473 = arith.index_cast %mul3A_73 : i32 to index
        %get3A_474 = tpu.vector_load %arg4[%get3A_471, %get3A_472, %get3A_473] {strides = array<i32>} : memref<7x8x768xf32, #tpu.memory_space<vmem>>, vector<1x1x16xf32>,
        %get3A_475 = vector.shape_cast %get3A_474 : vector<1x1x16xf32> to vector<16xf32>
        %add3A_476 = arith.addf %add3A_468, %get3A_475 : vector<16xf32>
        %get3A_477 = arith.constant 5 : i32
        %get3A_478 = arith.constant 6 : i32
        %get3A_479 = arith.index_cast %get3A_477 : i32 to index
        %get3A_480 = arith.index_cast %get3A_478 : i32 to index
        %get3A_481 = arith.index_cast %mul3A_73 : i32 to index
        %get3A_482 = tpu.vector_load %arg4[%get3A_479, %get3A_480, %get3A_481] {strides = array<i32>} : memref<7x8x768xf32, #tpu.memory_space<vmem>>, vector<1x1x16xf32>,
        %get3A_483 = vector.shape_cast %get3A_482 : vector<1x1x16xf32> to vector<16xf32>
        %add3A_484 = arith.addf %add3A_476, %get3A_483 : vector<16xf32>
        %get3A_485 = arith.constant 6 : i32
        %get3A_486 = arith.constant 6 : i32
        %get3A_487 = arith.index_cast %get3A_485 : i32 to index
        %get3A_488 = arith.index_cast %get3A_486 : i32 to index
        %get3A_489 = arith.index_cast %mul3A_73 : i32 to index
        %get3A_490 = tpu.vector_load %arg4[%get3A_487, %get3A_488, %get3A_489] {strides = array<i32>} : memref<7x8x768xf32, #tpu.memory_space<vmem>>, vector<1x1x16xf32>,
        %get3A_491 = vector.shape_cast %get3A_490 : vector<1x1x16xf32> to vector<16xf32>
        %add3A_492 = arith.addf %add3A_484, %get3A_491 : vector<16xf32>
        %swap3A_493 = arith.constant 6 : i32
        %swap3A_494 = arith.index_cast %swap3A_493 : i32 to index
        %swap3A_495 = arith.index_cast %mul3A_73 : i32 to index
        %swap3A_496 = tpu.vector_load %arg6[%swap3A_494, %swap3A_495] {strides = array<i32>} : memref<8x768xf32, #tpu.memory_space<vmem>>, vector<1x16xf32>,
        %swap3A_497 = vector.shape_cast %swap3A_496 : vector<1x16xf32> to vector<16xf32>
        %swap3A_498 = vector.shape_cast %add3A_492 : vector<16xf32> to vector<1x16xf32>
        tpu.vector_store %arg6[%swap3A_494, %swap3A_495], %swap3A_498 {add = true, strides = array<i32>} : memref<8x768xf32, #tpu.memory_space<vmem>>, vector<1x16xf32>,
        %get3A_499 = arith.constant 0 : i32
        %get3A_500 = arith.constant 7 : i32
        %get3A_501 = arith.index_cast %get3A_499 : i32 to index
        %get3A_502 = arith.index_cast %get3A_500 : i32 to index
        %get3A_503 = arith.index_cast %mul3A_73 : i32 to index
        %get3A_504 = tpu.vector_load %arg4[%get3A_501, %get3A_502, %get3A_503] {strides = array<i32>} : memref<7x8x768xf32, #tpu.memory_space<vmem>>, vector<1x1x16xf32>,
        %get3A_505 = vector.shape_cast %get3A_504 : vector<1x1x16xf32> to vector<16xf32>
        %get3A_506 = arith.constant 1 : i32
        %get3A_507 = arith.constant 7 : i32
        %get3A_508 = arith.index_cast %get3A_506 : i32 to index
        %get3A_509 = arith.index_cast %get3A_507 : i32 to index
        %get3A_510 = arith.index_cast %mul3A_73 : i32 to index
        %get3A_511 = tpu.vector_load %arg4[%get3A_508, %get3A_509, %get3A_510] {strides = array<i32>} : memref<7x8x768xf32, #tpu.memory_space<vmem>>, vector<1x1x16xf32>,
        %get3A_512 = vector.shape_cast %get3A_511 : vector<1x1x16xf32> to vector<16xf32>
        %add3A_513 = arith.addf %get3A_505, %get3A_512 : vector<16xf32>
        %get3A_514 = arith.constant 2 : i32
        %get3A_515 = arith.constant 7 : i32
        %get3A_516 = arith.index_cast %get3A_514 : i32 to index
        %get3A_517 = arith.index_cast %get3A_515 : i32 to index
        %get3A_518 = arith.index_cast %mul3A_73 : i32 to index
        %get3A_519 = tpu.vector_load %arg4[%get3A_516, %get3A_517, %get3A_518] {strides = array<i32>} : memref<7x8x768xf32, #tpu.memory_space<vmem>>, vector<1x1x16xf32>,
        %get3A_520 = vector.shape_cast %get3A_519 : vector<1x1x16xf32> to vector<16xf32>
        %add3A_521 = arith.addf %add3A_513, %get3A_520 : vector<16xf32>
        %get3A_522 = arith.constant 3 : i32
        %get3A_523 = arith.constant 7 : i32
        %get3A_524 = arith.index_cast %get3A_522 : i32 to index
        %get3A_525 = arith.index_cast %get3A_523 : i32 to index
        %get3A_526 = arith.index_cast %mul3A_73 : i32 to index
        %get3A_527 = tpu.vector_load %arg4[%get3A_524, %get3A_525, %get3A_526] {strides = array<i32>} : memref<7x8x768xf32, #tpu.memory_space<vmem>>, vector<1x1x16xf32>,
        %get3A_528 = vector.shape_cast %get3A_527 : vector<1x1x16xf32> to vector<16xf32>
        %add3A_529 = arith.addf %add3A_521, %get3A_528 : vector<16xf32>
        %get3A_530 = arith.constant 4 : i32
        %get3A_531 = arith.constant 7 : i32
        %get3A_532 = arith.index_cast %get3A_530 : i32 to index
        %get3A_533 = arith.index_cast %get3A_531 : i32 to index
        %get3A_534 = arith.index_cast %mul3A_73 : i32 to index
        %get3A_535 = tpu.vector_load %arg4[%get3A_532, %get3A_533, %get3A_534] {strides = array<i32>} : memref<7x8x768xf32, #tpu.memory_space<vmem>>, vector<1x1x16xf32>,
        %get3A_536 = vector.shape_cast %get3A_535 : vector<1x1x16xf32> to vector<16xf32>
        %add3A_537 = arith.addf %add3A_529, %get3A_536 : vector<16xf32>
        %get3A_538 = arith.constant 5 : i32
        %get3A_539 = arith.constant 7 : i32
        %get3A_540 = arith.index_cast %get3A_538 : i32 to index
        %get3A_541 = arith.index_cast %get3A_539 : i32 to index
        %get3A_542 = arith.index_cast %mul3A_73 : i32 to index
        %get3A_543 = tpu.vector_load %arg4[%get3A_540, %get3A_541, %get3A_542] {strides = array<i32>} : memref<7x8x768xf32, #tpu.memory_space<vmem>>, vector<1x1x16xf32>,
        %get3A_544 = vector.shape_cast %get3A_543 : vector<1x1x16xf32> to vector<16xf32>
        %add3A_545 = arith.addf %add3A_537, %get3A_544 : vector<16xf32>
        %get3A_546 = arith.constant 6 : i32
        %get3A_547 = arith.constant 7 : i32
        %get3A_548 = arith.index_cast %get3A_546 : i32 to index
        %get3A_549 = arith.index_cast %get3A_547 : i32 to index
        %get3A_550 = arith.index_cast %mul3A_73 : i32 to index
        %get3A_551 = tpu.vector_load %arg4[%get3A_548, %get3A_549, %get3A_550] {strides = array<i32>} : memref<7x8x768xf32, #tpu.memory_space<vmem>>, vector<1x1x16xf32>,
        %get3A_552 = vector.shape_cast %get3A_551 : vector<1x1x16xf32> to vector<16xf32>
        %add3A_553 = arith.addf %add3A_545, %get3A_552 : vector<16xf32>
        %swap3A_554 = arith.constant 7 : i32
        %swap3A_555 = arith.index_cast %swap3A_554 : i32 to index
        %swap3A_556 = arith.index_cast %mul3A_73 : i32 to index
        %swap3A_557 = tpu.vector_load %arg6[%swap3A_555, %swap3A_556] {strides = array<i32>} : memref<8x768xf32, #tpu.memory_space<vmem>>, vector<1x16xf32>,
        %swap3A_558 = vector.shape_cast %swap3A_557 : vector<1x16xf32> to vector<16xf32>
        %swap3A_559 = vector.shape_cast %add3A_553 : vector<16xf32> to vector<1x16xf32>
        tpu.vector_store %arg6[%swap3A_555, %swap3A_556], %swap3A_559 {add = true, strides = array<i32>} : memref<8x768xf32, #tpu.memory_space<vmem>>, vector<1x16xf32>,
        %scan3A_560 = arith.constant 0 : i32
        scf.yield %scan3A_560 : i32
      }
      %scan3A_44 = arith.constant 48 : i32
      %add3A_45 = arith.constant 1 : i32
      %add3A_46 = arith.addi %mul3A_24, %add3A_45 : i32
      %add3A_47 = arith.constant 1 : i32
      %add3A_48 = arith.addi %add3A_46, %add3A_47 : i32
      %lt3A_49 = arith.constant 10 : i32
      %lt3A_50 = arith.cmpi slt, %add3A_48, %lt3A_49 : i32
      %convert_element_type3A_51 = arith.extui %lt3A_50 : i1 to i32
      %cond3A_52 = arith.constant 0 : i32
      %cond3A_53 = arith.cmpi ne, %convert_element_type3A_51, %cond3A_52 : i32
      scf.if %cond3A_53 {
        %add3A_70 = arith.constant 1 : i32
        %add3A_71 = arith.addi %add3A_46, %add3A_70 : i32
        %mul3A_72 = arith.constant 7 : i32
        %mul3A_73 = arith.muli %add3A_71, %mul3A_72 : i32
        %add3A_74 = arith.constant 126 : i32
        %add3A_75 = arith.addi %add3A_74, %mul3A_73 : i32
        %dma_start3A_76 = arith.constant 0 : i32
        %dma_start3A_77 = tpu.memref_slice %arg2[%add3A_75, %mul3A_2, %dma_start3A_76] : memref<196x256x768xf32, #tpu.memory_space<hbm>> -> memref<7x8x768xf32, #tpu.memory_space<hbm>>
        %dma_start3A_78 = arith.constant 0 : i32
        %dma_start3A_79 = tpu.memref_slice %arg2[%add3A_75, %mul3A_2, %dma_start3A_78] : memref<196x256x768xf32, #tpu.memory_space<hbm>> -> memref<7x8x768xf32, #tpu.memory_space<hbm>>
        tpu.enqueue_dma source(%dma_start3A_79 : memref<7x8x768xf32, #tpu.memory_space<hbm>>) target(%arg4 : memref<7x8x768xf32, #tpu.memory_space<vmem>>) target_semaphore(%arg7 : memref<!tpu.dma_semaphore, #tpu.memory_space<semaphore_mem>>)
      } else {
      }
      %mul3A_54 = arith.constant 7 : i32
      %mul3A_55 = arith.muli %add3A_46, %mul3A_54 : i32
      %add3A_56 = arith.constant 126 : i32
      %add3A_57 = arith.addi %add3A_56, %mul3A_55 : i32
      %dma_wait3A_58 = arith.constant 0 : i32
      %dma_wait3A_59 = tpu.memref_slice %arg2[%add3A_57, %mul3A_2, %dma_wait3A_58] : memref<196x256x768xf32, #tpu.memory_space<hbm>> -> memref<7x8x768xf32, #tpu.memory_space<hbm>>
      %dma_wait3A_60 = arith.constant 0 : i32
      %dma_wait3A_61 = tpu.memref_slice %arg2[%add3A_57, %mul3A_2, %dma_wait3A_60] : memref<196x256x768xf32, #tpu.memory_space<hbm>> -> memref<7x8x768xf32, #tpu.memory_space<hbm>>
      tpu.wait_dma2 semaphore(%arg8 : memref<!tpu.dma_semaphore, #tpu.memory_space<semaphore_mem>>) src(%dma_wait3A_61 : memref<7x8x768xf32, #tpu.memory_space<hbm>>) dst(%arg5 : memref<7x8x768xf32, #tpu.memory_space<vmem>>)
      %scan3A_62 = arith.constant 0 : i32
      %scan3A_63 = arith.constant 0 : i32
      %scan3A_64 = arith.constant 48 : i32
      %scan3A_65 = arith.addi %scan3A_63, %scan3A_64 : i32
      %scan3A_66 = arith.constant 1 : i32
      %scan3A_67 = scf.for %scan3A_70 = %scan3A_63 to %scan3A_65 step %scan3A_66 iter_args(%scan3A_71 = %scan3A_62) -> (i32)  : i32 {
        %mul3A_72 = arith.constant 16 : i32
        %mul3A_73 = arith.muli %scan3A_70, %mul3A_72 : i32
        %get3A = arith.constant 0 : i32
        %get3A_74 = arith.constant 0 : i32
        %get3A_75 = arith.index_cast %get3A : i32 to index
        %get3A_76 = arith.index_cast %get3A_74 : i32 to index
        %get3A_77 = arith.index_cast %mul3A_73 : i32 to index
        %get3A_78 = tpu.vector_load %arg5[%get3A_75, %get3A_76, %get3A_77] {strides = array<i32>} : memref<7x8x768xf32, #tpu.memory_space<vmem>>, vector<1x1x16xf32>,
        %get3A_79 = vector.shape_cast %get3A_78 : vector<1x1x16xf32> to vector<16xf32>
        %get3A_80 = arith.constant 1 : i32
        %get3A_81 = arith.constant 0 : i32
        %get3A_82 = arith.index_cast %get3A_80 : i32 to index
        %get3A_83 = arith.index_cast %get3A_81 : i32 to index
        %get3A_84 = arith.index_cast %mul3A_73 : i32 to index
        %get3A_85 = tpu.vector_load %arg5[%get3A_82, %get3A_83, %get3A_84] {strides = array<i32>} : memref<7x8x768xf32, #tpu.memory_space<vmem>>, vector<1x1x16xf32>,
        %get3A_86 = vector.shape_cast %get3A_85 : vector<1x1x16xf32> to vector<16xf32>
        %add3A_87 = arith.addf %get3A_79, %get3A_86 : vector<16xf32>
        %get3A_88 = arith.constant 2 : i32
        %get3A_89 = arith.constant 0 : i32
        %get3A_90 = arith.index_cast %get3A_88 : i32 to index
        %get3A_91 = arith.index_cast %get3A_89 : i32 to index
        %get3A_92 = arith.index_cast %mul3A_73 : i32 to index
        %get3A_93 = tpu.vector_load %arg5[%get3A_90, %get3A_91, %get3A_92] {strides = array<i32>} : memref<7x8x768xf32, #tpu.memory_space<vmem>>, vector<1x1x16xf32>,
        %get3A_94 = vector.shape_cast %get3A_93 : vector<1x1x16xf32> to vector<16xf32>
        %add3A_95 = arith.addf %add3A_87, %get3A_94 : vector<16xf32>
        %get3A_96 = arith.constant 3 : i32
        %get3A_97 = arith.constant 0 : i32
        %get3A_98 = arith.index_cast %get3A_96 : i32 to index
        %get3A_99 = arith.index_cast %get3A_97 : i32 to index
        %get3A_100 = arith.index_cast %mul3A_73 : i32 to index
        %get3A_101 = tpu.vector_load %arg5[%get3A_98, %get3A_99, %get3A_100] {strides = array<i32>} : memref<7x8x768xf32, #tpu.memory_space<vmem>>, vector<1x1x16xf32>,
        %get3A_102 = vector.shape_cast %get3A_101 : vector<1x1x16xf32> to vector<16xf32>
        %add3A_103 = arith.addf %add3A_95, %get3A_102 : vector<16xf32>
        %get3A_104 = arith.constant 4 : i32
        %get3A_105 = arith.constant 0 : i32
        %get3A_106 = arith.index_cast %get3A_104 : i32 to index
        %get3A_107 = arith.index_cast %get3A_105 : i32 to index
        %get3A_108 = arith.index_cast %mul3A_73 : i32 to index
        %get3A_109 = tpu.vector_load %arg5[%get3A_106, %get3A_107, %get3A_108] {strides = array<i32>} : memref<7x8x768xf32, #tpu.memory_space<vmem>>, vector<1x1x16xf32>,
        %get3A_110 = vector.shape_cast %get3A_109 : vector<1x1x16xf32> to vector<16xf32>
        %add3A_111 = arith.addf %add3A_103, %get3A_110 : vector<16xf32>
        %get3A_112 = arith.constant 5 : i32
        %get3A_113 = arith.constant 0 : i32
        %get3A_114 = arith.index_cast %get3A_112 : i32 to index
        %get3A_115 = arith.index_cast %get3A_113 : i32 to index
        %get3A_116 = arith.index_cast %mul3A_73 : i32 to index
        %get3A_117 = tpu.vector_load %arg5[%get3A_114, %get3A_115, %get3A_116] {strides = array<i32>} : memref<7x8x768xf32, #tpu.memory_space<vmem>>, vector<1x1x16xf32>,
        %get3A_118 = vector.shape_cast %get3A_117 : vector<1x1x16xf32> to vector<16xf32>
        %add3A_119 = arith.addf %add3A_111, %get3A_118 : vector<16xf32>
        %get3A_120 = arith.constant 6 : i32
        %get3A_121 = arith.constant 0 : i32
        %get3A_122 = arith.index_cast %get3A_120 : i32 to index
        %get3A_123 = arith.index_cast %get3A_121 : i32 to index
        %get3A_124 = arith.index_cast %mul3A_73 : i32 to index
        %get3A_125 = tpu.vector_load %arg5[%get3A_122, %get3A_123, %get3A_124] {strides = array<i32>} : memref<7x8x768xf32, #tpu.memory_space<vmem>>, vector<1x1x16xf32>,
        %get3A_126 = vector.shape_cast %get3A_125 : vector<1x1x16xf32> to vector<16xf32>
        %add3A_127 = arith.addf %add3A_119, %get3A_126 : vector<16xf32>
        %swap3A = arith.constant 0 : i32
        %swap3A_128 = arith.index_cast %swap3A : i32 to index
        %swap3A_129 = arith.index_cast %mul3A_73 : i32 to index
        %swap3A_130 = tpu.vector_load %arg6[%swap3A_128, %swap3A_129] {strides = array<i32>} : memref<8x768xf32, #tpu.memory_space<vmem>>, vector<1x16xf32>,
        %swap3A_131 = vector.shape_cast %swap3A_130 : vector<1x16xf32> to vector<16xf32>
        %swap3A_132 = vector.shape_cast %add3A_127 : vector<16xf32> to vector<1x16xf32>
        tpu.vector_store %arg6[%swap3A_128, %swap3A_129], %swap3A_132 {add = true, strides = array<i32>} : memref<8x768xf32, #tpu.memory_space<vmem>>, vector<1x16xf32>,
        %get3A_133 = arith.constant 0 : i32
        %get3A_134 = arith.constant 1 : i32
        %get3A_135 = arith.index_cast %get3A_133 : i32 to index
        %get3A_136 = arith.index_cast %get3A_134 : i32 to index
        %get3A_137 = arith.index_cast %mul3A_73 : i32 to index
        %get3A_138 = tpu.vector_load %arg5[%get3A_135, %get3A_136, %get3A_137] {strides = array<i32>} : memref<7x8x768xf32, #tpu.memory_space<vmem>>, vector<1x1x16xf32>,
        %get3A_139 = vector.shape_cast %get3A_138 : vector<1x1x16xf32> to vector<16xf32>
        %get3A_140 = arith.constant 1 : i32
        %get3A_141 = arith.constant 1 : i32
        %get3A_142 = arith.index_cast %get3A_140 : i32 to index
        %get3A_143 = arith.index_cast %get3A_141 : i32 to index
        %get3A_144 = arith.index_cast %mul3A_73 : i32 to index
        %get3A_145 = tpu.vector_load %arg5[%get3A_142, %get3A_143, %get3A_144] {strides = array<i32>} : memref<7x8x768xf32, #tpu.memory_space<vmem>>, vector<1x1x16xf32>,
        %get3A_146 = vector.shape_cast %get3A_145 : vector<1x1x16xf32> to vector<16xf32>
        %add3A_147 = arith.addf %get3A_139, %get3A_146 : vector<16xf32>
        %get3A_148 = arith.constant 2 : i32
        %get3A_149 = arith.constant 1 : i32
        %get3A_150 = arith.index_cast %get3A_148 : i32 to index
        %get3A_151 = arith.index_cast %get3A_149 : i32 to index
        %get3A_152 = arith.index_cast %mul3A_73 : i32 to index
        %get3A_153 = tpu.vector_load %arg5[%get3A_150, %get3A_151, %get3A_152] {strides = array<i32>} : memref<7x8x768xf32, #tpu.memory_space<vmem>>, vector<1x1x16xf32>,
        %get3A_154 = vector.shape_cast %get3A_153 : vector<1x1x16xf32> to vector<16xf32>
        %add3A_155 = arith.addf %add3A_147, %get3A_154 : vector<16xf32>
        %get3A_156 = arith.constant 3 : i32
        %get3A_157 = arith.constant 1 : i32
        %get3A_158 = arith.index_cast %get3A_156 : i32 to index
        %get3A_159 = arith.index_cast %get3A_157 : i32 to index
        %get3A_160 = arith.index_cast %mul3A_73 : i32 to index
        %get3A_161 = tpu.vector_load %arg5[%get3A_158, %get3A_159, %get3A_160] {strides = array<i32>} : memref<7x8x768xf32, #tpu.memory_space<vmem>>, vector<1x1x16xf32>,
        %get3A_162 = vector.shape_cast %get3A_161 : vector<1x1x16xf32> to vector<16xf32>
        %add3A_163 = arith.addf %add3A_155, %get3A_162 : vector<16xf32>
        %get3A_164 = arith.constant 4 : i32
        %get3A_165 = arith.constant 1 : i32
        %get3A_166 = arith.index_cast %get3A_164 : i32 to index
        %get3A_167 = arith.index_cast %get3A_165 : i32 to index
        %get3A_168 = arith.index_cast %mul3A_73 : i32 to index
        %get3A_169 = tpu.vector_load %arg5[%get3A_166, %get3A_167, %get3A_168] {strides = array<i32>} : memref<7x8x768xf32, #tpu.memory_space<vmem>>, vector<1x1x16xf32>,
        %get3A_170 = vector.shape_cast %get3A_169 : vector<1x1x16xf32> to vector<16xf32>
        %add3A_171 = arith.addf %add3A_163, %get3A_170 : vector<16xf32>
        %get3A_172 = arith.constant 5 : i32
        %get3A_173 = arith.constant 1 : i32
        %get3A_174 = arith.index_cast %get3A_172 : i32 to index
        %get3A_175 = arith.index_cast %get3A_173 : i32 to index
        %get3A_176 = arith.index_cast %mul3A_73 : i32 to index
        %get3A_177 = tpu.vector_load %arg5[%get3A_174, %get3A_175, %get3A_176] {strides = array<i32>} : memref<7x8x768xf32, #tpu.memory_space<vmem>>, vector<1x1x16xf32>,
        %get3A_178 = vector.shape_cast %get3A_177 : vector<1x1x16xf32> to vector<16xf32>
        %add3A_179 = arith.addf %add3A_171, %get3A_178 : vector<16xf32>
        %get3A_180 = arith.constant 6 : i32
        %get3A_181 = arith.constant 1 : i32
        %get3A_182 = arith.index_cast %get3A_180 : i32 to index
        %get3A_183 = arith.index_cast %get3A_181 : i32 to index
        %get3A_184 = arith.index_cast %mul3A_73 : i32 to index
        %get3A_185 = tpu.vector_load %arg5[%get3A_182, %get3A_183, %get3A_184] {strides = array<i32>} : memref<7x8x768xf32, #tpu.memory_space<vmem>>, vector<1x1x16xf32>,
        %get3A_186 = vector.shape_cast %get3A_185 : vector<1x1x16xf32> to vector<16xf32>
        %add3A_187 = arith.addf %add3A_179, %get3A_186 : vector<16xf32>
        %swap3A_188 = arith.constant 1 : i32
        %swap3A_189 = arith.index_cast %swap3A_188 : i32 to index
        %swap3A_190 = arith.index_cast %mul3A_73 : i32 to index
        %swap3A_191 = tpu.vector_load %arg6[%swap3A_189, %swap3A_190] {strides = array<i32>} : memref<8x768xf32, #tpu.memory_space<vmem>>, vector<1x16xf32>,
        %swap3A_192 = vector.shape_cast %swap3A_191 : vector<1x16xf32> to vector<16xf32>
        %swap3A_193 = vector.shape_cast %add3A_187 : vector<16xf32> to vector<1x16xf32>
        tpu.vector_store %arg6[%swap3A_189, %swap3A_190], %swap3A_193 {add = true, strides = array<i32>} : memref<8x768xf32, #tpu.memory_space<vmem>>, vector<1x16xf32>,
        %get3A_194 = arith.constant 0 : i32
        %get3A_195 = arith.constant 2 : i32
        %get3A_196 = arith.index_cast %get3A_194 : i32 to index
        %get3A_197 = arith.index_cast %get3A_195 : i32 to index
        %get3A_198 = arith.index_cast %mul3A_73 : i32 to index
        %get3A_199 = tpu.vector_load %arg5[%get3A_196, %get3A_197, %get3A_198] {strides = array<i32>} : memref<7x8x768xf32, #tpu.memory_space<vmem>>, vector<1x1x16xf32>,
        %get3A_200 = vector.shape_cast %get3A_199 : vector<1x1x16xf32> to vector<16xf32>
        %get3A_201 = arith.constant 1 : i32
        %get3A_202 = arith.constant 2 : i32
        %get3A_203 = arith.index_cast %get3A_201 : i32 to index
        %get3A_204 = arith.index_cast %get3A_202 : i32 to index
        %get3A_205 = arith.index_cast %mul3A_73 : i32 to index
        %get3A_206 = tpu.vector_load %arg5[%get3A_203, %get3A_204, %get3A_205] {strides = array<i32>} : memref<7x8x768xf32, #tpu.memory_space<vmem>>, vector<1x1x16xf32>,
        %get3A_207 = vector.shape_cast %get3A_206 : vector<1x1x16xf32> to vector<16xf32>
        %add3A_208 = arith.addf %get3A_200, %get3A_207 : vector<16xf32>
        %get3A_209 = arith.constant 2 : i32
        %get3A_210 = arith.constant 2 : i32
        %get3A_211 = arith.index_cast %get3A_209 : i32 to index
        %get3A_212 = arith.index_cast %get3A_210 : i32 to index
        %get3A_213 = arith.index_cast %mul3A_73 : i32 to index
        %get3A_214 = tpu.vector_load %arg5[%get3A_211, %get3A_212, %get3A_213] {strides = array<i32>} : memref<7x8x768xf32, #tpu.memory_space<vmem>>, vector<1x1x16xf32>,
        %get3A_215 = vector.shape_cast %get3A_214 : vector<1x1x16xf32> to vector<16xf32>
        %add3A_216 = arith.addf %add3A_208, %get3A_215 : vector<16xf32>
        %get3A_217 = arith.constant 3 : i32
        %get3A_218 = arith.constant 2 : i32
        %get3A_219 = arith.index_cast %get3A_217 : i32 to index
        %get3A_220 = arith.index_cast %get3A_218 : i32 to index
        %get3A_221 = arith.index_cast %mul3A_73 : i32 to index
        %get3A_222 = tpu.vector_load %arg5[%get3A_219, %get3A_220, %get3A_221] {strides = array<i32>} : memref<7x8x768xf32, #tpu.memory_space<vmem>>, vector<1x1x16xf32>,
        %get3A_223 = vector.shape_cast %get3A_222 : vector<1x1x16xf32> to vector<16xf32>
        %add3A_224 = arith.addf %add3A_216, %get3A_223 : vector<16xf32>
        %get3A_225 = arith.constant 4 : i32
        %get3A_226 = arith.constant 2 : i32
        %get3A_227 = arith.index_cast %get3A_225 : i32 to index
        %get3A_228 = arith.index_cast %get3A_226 : i32 to index
        %get3A_229 = arith.index_cast %mul3A_73 : i32 to index
        %get3A_230 = tpu.vector_load %arg5[%get3A_227, %get3A_228, %get3A_229] {strides = array<i32>} : memref<7x8x768xf32, #tpu.memory_space<vmem>>, vector<1x1x16xf32>,
        %get3A_231 = vector.shape_cast %get3A_230 : vector<1x1x16xf32> to vector<16xf32>
        %add3A_232 = arith.addf %add3A_224, %get3A_231 : vector<16xf32>
        %get3A_233 = arith.constant 5 : i32
        %get3A_234 = arith.constant 2 : i32
        %get3A_235 = arith.index_cast %get3A_233 : i32 to index
        %get3A_236 = arith.index_cast %get3A_234 : i32 to index
        %get3A_237 = arith.index_cast %mul3A_73 : i32 to index
        %get3A_238 = tpu.vector_load %arg5[%get3A_235, %get3A_236, %get3A_237] {strides = array<i32>} : memref<7x8x768xf32, #tpu.memory_space<vmem>>, vector<1x1x16xf32>,
        %get3A_239 = vector.shape_cast %get3A_238 : vector<1x1x16xf32> to vector<16xf32>
        %add3A_240 = arith.addf %add3A_232, %get3A_239 : vector<16xf32>
        %get3A_241 = arith.constant 6 : i32
        %get3A_242 = arith.constant 2 : i32
        %get3A_243 = arith.index_cast %get3A_241 : i32 to index
        %get3A_244 = arith.index_cast %get3A_242 : i32 to index
        %get3A_245 = arith.index_cast %mul3A_73 : i32 to index
        %get3A_246 = tpu.vector_load %arg5[%get3A_243, %get3A_244, %get3A_245] {strides = array<i32>} : memref<7x8x768xf32, #tpu.memory_space<vmem>>, vector<1x1x16xf32>,
        %get3A_247 = vector.shape_cast %get3A_246 : vector<1x1x16xf32> to vector<16xf32>
        %add3A_248 = arith.addf %add3A_240, %get3A_247 : vector<16xf32>
        %swap3A_249 = arith.constant 2 : i32
        %swap3A_250 = arith.index_cast %swap3A_249 : i32 to index
        %swap3A_251 = arith.index_cast %mul3A_73 : i32 to index
        %swap3A_252 = tpu.vector_load %arg6[%swap3A_250, %swap3A_251] {strides = array<i32>} : memref<8x768xf32, #tpu.memory_space<vmem>>, vector<1x16xf32>,
        %swap3A_253 = vector.shape_cast %swap3A_252 : vector<1x16xf32> to vector<16xf32>
        %swap3A_254 = vector.shape_cast %add3A_248 : vector<16xf32> to vector<1x16xf32>
        tpu.vector_store %arg6[%swap3A_250, %swap3A_251], %swap3A_254 {add = true, strides = array<i32>} : memref<8x768xf32, #tpu.memory_space<vmem>>, vector<1x16xf32>,
        %get3A_255 = arith.constant 0 : i32
        %get3A_256 = arith.constant 3 : i32
        %get3A_257 = arith.index_cast %get3A_255 : i32 to index
        %get3A_258 = arith.index_cast %get3A_256 : i32 to index
        %get3A_259 = arith.index_cast %mul3A_73 : i32 to index
        %get3A_260 = tpu.vector_load %arg5[%get3A_257, %get3A_258, %get3A_259] {strides = array<i32>} : memref<7x8x768xf32, #tpu.memory_space<vmem>>, vector<1x1x16xf32>,
        %get3A_261 = vector.shape_cast %get3A_260 : vector<1x1x16xf32> to vector<16xf32>
        %get3A_262 = arith.constant 1 : i32
        %get3A_263 = arith.constant 3 : i32
        %get3A_264 = arith.index_cast %get3A_262 : i32 to index
        %get3A_265 = arith.index_cast %get3A_263 : i32 to index
        %get3A_266 = arith.index_cast %mul3A_73 : i32 to index
        %get3A_267 = tpu.vector_load %arg5[%get3A_264, %get3A_265, %get3A_266] {strides = array<i32>} : memref<7x8x768xf32, #tpu.memory_space<vmem>>, vector<1x1x16xf32>,
        %get3A_268 = vector.shape_cast %get3A_267 : vector<1x1x16xf32> to vector<16xf32>
        %add3A_269 = arith.addf %get3A_261, %get3A_268 : vector<16xf32>
        %get3A_270 = arith.constant 2 : i32
        %get3A_271 = arith.constant 3 : i32
        %get3A_272 = arith.index_cast %get3A_270 : i32 to index
        %get3A_273 = arith.index_cast %get3A_271 : i32 to index
        %get3A_274 = arith.index_cast %mul3A_73 : i32 to index
        %get3A_275 = tpu.vector_load %arg5[%get3A_272, %get3A_273, %get3A_274] {strides = array<i32>} : memref<7x8x768xf32, #tpu.memory_space<vmem>>, vector<1x1x16xf32>,
        %get3A_276 = vector.shape_cast %get3A_275 : vector<1x1x16xf32> to vector<16xf32>
        %add3A_277 = arith.addf %add3A_269, %get3A_276 : vector<16xf32>
        %get3A_278 = arith.constant 3 : i32
        %get3A_279 = arith.constant 3 : i32
        %get3A_280 = arith.index_cast %get3A_278 : i32 to index
        %get3A_281 = arith.index_cast %get3A_279 : i32 to index
        %get3A_282 = arith.index_cast %mul3A_73 : i32 to index
        %get3A_283 = tpu.vector_load %arg5[%get3A_280, %get3A_281, %get3A_282] {strides = array<i32>} : memref<7x8x768xf32, #tpu.memory_space<vmem>>, vector<1x1x16xf32>,
        %get3A_284 = vector.shape_cast %get3A_283 : vector<1x1x16xf32> to vector<16xf32>
        %add3A_285 = arith.addf %add3A_277, %get3A_284 : vector<16xf32>
        %get3A_286 = arith.constant 4 : i32
        %get3A_287 = arith.constant 3 : i32
        %get3A_288 = arith.index_cast %get3A_286 : i32 to index
        %get3A_289 = arith.index_cast %get3A_287 : i32 to index
        %get3A_290 = arith.index_cast %mul3A_73 : i32 to index
        %get3A_291 = tpu.vector_load %arg5[%get3A_288, %get3A_289, %get3A_290] {strides = array<i32>} : memref<7x8x768xf32, #tpu.memory_space<vmem>>, vector<1x1x16xf32>,
        %get3A_292 = vector.shape_cast %get3A_291 : vector<1x1x16xf32> to vector<16xf32>
        %add3A_293 = arith.addf %add3A_285, %get3A_292 : vector<16xf32>
        %get3A_294 = arith.constant 5 : i32
        %get3A_295 = arith.constant 3 : i32
        %get3A_296 = arith.index_cast %get3A_294 : i32 to index
        %get3A_297 = arith.index_cast %get3A_295 : i32 to index
        %get3A_298 = arith.index_cast %mul3A_73 : i32 to index
        %get3A_299 = tpu.vector_load %arg5[%get3A_296, %get3A_297, %get3A_298] {strides = array<i32>} : memref<7x8x768xf32, #tpu.memory_space<vmem>>, vector<1x1x16xf32>,
        %get3A_300 = vector.shape_cast %get3A_299 : vector<1x1x16xf32> to vector<16xf32>
        %add3A_301 = arith.addf %add3A_293, %get3A_300 : vector<16xf32>
        %get3A_302 = arith.constant 6 : i32
        %get3A_303 = arith.constant 3 : i32
        %get3A_304 = arith.index_cast %get3A_302 : i32 to index
        %get3A_305 = arith.index_cast %get3A_303 : i32 to index
        %get3A_306 = arith.index_cast %mul3A_73 : i32 to index
        %get3A_307 = tpu.vector_load %arg5[%get3A_304, %get3A_305, %get3A_306] {strides = array<i32>} : memref<7x8x768xf32, #tpu.memory_space<vmem>>, vector<1x1x16xf32>,
        %get3A_308 = vector.shape_cast %get3A_307 : vector<1x1x16xf32> to vector<16xf32>
        %add3A_309 = arith.addf %add3A_301, %get3A_308 : vector<16xf32>
        %swap3A_310 = arith.constant 3 : i32
        %swap3A_311 = arith.index_cast %swap3A_310 : i32 to index
        %swap3A_312 = arith.index_cast %mul3A_73 : i32 to index
        %swap3A_313 = tpu.vector_load %arg6[%swap3A_311, %swap3A_312] {strides = array<i32>} : memref<8x768xf32, #tpu.memory_space<vmem>>, vector<1x16xf32>,
        %swap3A_314 = vector.shape_cast %swap3A_313 : vector<1x16xf32> to vector<16xf32>
        %swap3A_315 = vector.shape_cast %add3A_309 : vector<16xf32> to vector<1x16xf32>
        tpu.vector_store %arg6[%swap3A_311, %swap3A_312], %swap3A_315 {add = true, strides = array<i32>} : memref<8x768xf32, #tpu.memory_space<vmem>>, vector<1x16xf32>,
        %get3A_316 = arith.constant 0 : i32
        %get3A_317 = arith.constant 4 : i32
        %get3A_318 = arith.index_cast %get3A_316 : i32 to index
        %get3A_319 = arith.index_cast %get3A_317 : i32 to index
        %get3A_320 = arith.index_cast %mul3A_73 : i32 to index
        %get3A_321 = tpu.vector_load %arg5[%get3A_318, %get3A_319, %get3A_320] {strides = array<i32>} : memref<7x8x768xf32, #tpu.memory_space<vmem>>, vector<1x1x16xf32>,
        %get3A_322 = vector.shape_cast %get3A_321 : vector<1x1x16xf32> to vector<16xf32>
        %get3A_323 = arith.constant 1 : i32
        %get3A_324 = arith.constant 4 : i32
        %get3A_325 = arith.index_cast %get3A_323 : i32 to index
        %get3A_326 = arith.index_cast %get3A_324 : i32 to index
        %get3A_327 = arith.index_cast %mul3A_73 : i32 to index
        %get3A_328 = tpu.vector_load %arg5[%get3A_325, %get3A_326, %get3A_327] {strides = array<i32>} : memref<7x8x768xf32, #tpu.memory_space<vmem>>, vector<1x1x16xf32>,
        %get3A_329 = vector.shape_cast %get3A_328 : vector<1x1x16xf32> to vector<16xf32>
        %add3A_330 = arith.addf %get3A_322, %get3A_329 : vector<16xf32>
        %get3A_331 = arith.constant 2 : i32
        %get3A_332 = arith.constant 4 : i32
        %get3A_333 = arith.index_cast %get3A_331 : i32 to index
        %get3A_334 = arith.index_cast %get3A_332 : i32 to index
        %get3A_335 = arith.index_cast %mul3A_73 : i32 to index
        %get3A_336 = tpu.vector_load %arg5[%get3A_333, %get3A_334, %get3A_335] {strides = array<i32>} : memref<7x8x768xf32, #tpu.memory_space<vmem>>, vector<1x1x16xf32>,
        %get3A_337 = vector.shape_cast %get3A_336 : vector<1x1x16xf32> to vector<16xf32>
        %add3A_338 = arith.addf %add3A_330, %get3A_337 : vector<16xf32>
        %get3A_339 = arith.constant 3 : i32
        %get3A_340 = arith.constant 4 : i32
        %get3A_341 = arith.index_cast %get3A_339 : i32 to index
        %get3A_342 = arith.index_cast %get3A_340 : i32 to index
        %get3A_343 = arith.index_cast %mul3A_73 : i32 to index
        %get3A_344 = tpu.vector_load %arg5[%get3A_341, %get3A_342, %get3A_343] {strides = array<i32>} : memref<7x8x768xf32, #tpu.memory_space<vmem>>, vector<1x1x16xf32>,
        %get3A_345 = vector.shape_cast %get3A_344 : vector<1x1x16xf32> to vector<16xf32>
        %add3A_346 = arith.addf %add3A_338, %get3A_345 : vector<16xf32>
        %get3A_347 = arith.constant 4 : i32
        %get3A_348 = arith.constant 4 : i32
        %get3A_349 = arith.index_cast %get3A_347 : i32 to index
        %get3A_350 = arith.index_cast %get3A_348 : i32 to index
        %get3A_351 = arith.index_cast %mul3A_73 : i32 to index
        %get3A_352 = tpu.vector_load %arg5[%get3A_349, %get3A_350, %get3A_351] {strides = array<i32>} : memref<7x8x768xf32, #tpu.memory_space<vmem>>, vector<1x1x16xf32>,
        %get3A_353 = vector.shape_cast %get3A_352 : vector<1x1x16xf32> to vector<16xf32>
        %add3A_354 = arith.addf %add3A_346, %get3A_353 : vector<16xf32>
        %get3A_355 = arith.constant 5 : i32
        %get3A_356 = arith.constant 4 : i32
        %get3A_357 = arith.index_cast %get3A_355 : i32 to index
        %get3A_358 = arith.index_cast %get3A_356 : i32 to index
        %get3A_359 = arith.index_cast %mul3A_73 : i32 to index
        %get3A_360 = tpu.vector_load %arg5[%get3A_357, %get3A_358, %get3A_359] {strides = array<i32>} : memref<7x8x768xf32, #tpu.memory_space<vmem>>, vector<1x1x16xf32>,
        %get3A_361 = vector.shape_cast %get3A_360 : vector<1x1x16xf32> to vector<16xf32>
        %add3A_362 = arith.addf %add3A_354, %get3A_361 : vector<16xf32>
        %get3A_363 = arith.constant 6 : i32
        %get3A_364 = arith.constant 4 : i32
        %get3A_365 = arith.index_cast %get3A_363 : i32 to index
        %get3A_366 = arith.index_cast %get3A_364 : i32 to index
        %get3A_367 = arith.index_cast %mul3A_73 : i32 to index
        %get3A_368 = tpu.vector_load %arg5[%get3A_365, %get3A_366, %get3A_367] {strides = array<i32>} : memref<7x8x768xf32, #tpu.memory_space<vmem>>, vector<1x1x16xf32>,
        %get3A_369 = vector.shape_cast %get3A_368 : vector<1x1x16xf32> to vector<16xf32>
        %add3A_370 = arith.addf %add3A_362, %get3A_369 : vector<16xf32>
        %swap3A_371 = arith.constant 4 : i32
        %swap3A_372 = arith.index_cast %swap3A_371 : i32 to index
        %swap3A_373 = arith.index_cast %mul3A_73 : i32 to index
        %swap3A_374 = tpu.vector_load %arg6[%swap3A_372, %swap3A_373] {strides = array<i32>} : memref<8x768xf32, #tpu.memory_space<vmem>>, vector<1x16xf32>,
        %swap3A_375 = vector.shape_cast %swap3A_374 : vector<1x16xf32> to vector<16xf32>
        %swap3A_376 = vector.shape_cast %add3A_370 : vector<16xf32> to vector<1x16xf32>
        tpu.vector_store %arg6[%swap3A_372, %swap3A_373], %swap3A_376 {add = true, strides = array<i32>} : memref<8x768xf32, #tpu.memory_space<vmem>>, vector<1x16xf32>,
        %get3A_377 = arith.constant 0 : i32
        %get3A_378 = arith.constant 5 : i32
        %get3A_379 = arith.index_cast %get3A_377 : i32 to index
        %get3A_380 = arith.index_cast %get3A_378 : i32 to index
        %get3A_381 = arith.index_cast %mul3A_73 : i32 to index
        %get3A_382 = tpu.vector_load %arg5[%get3A_379, %get3A_380, %get3A_381] {strides = array<i32>} : memref<7x8x768xf32, #tpu.memory_space<vmem>>, vector<1x1x16xf32>,
        %get3A_383 = vector.shape_cast %get3A_382 : vector<1x1x16xf32> to vector<16xf32>
        %get3A_384 = arith.constant 1 : i32
        %get3A_385 = arith.constant 5 : i32
        %get3A_386 = arith.index_cast %get3A_384 : i32 to index
        %get3A_387 = arith.index_cast %get3A_385 : i32 to index
        %get3A_388 = arith.index_cast %mul3A_73 : i32 to index
        %get3A_389 = tpu.vector_load %arg5[%get3A_386, %get3A_387, %get3A_388] {strides = array<i32>} : memref<7x8x768xf32, #tpu.memory_space<vmem>>, vector<1x1x16xf32>,
        %get3A_390 = vector.shape_cast %get3A_389 : vector<1x1x16xf32> to vector<16xf32>
        %add3A_391 = arith.addf %get3A_383, %get3A_390 : vector<16xf32>
        %get3A_392 = arith.constant 2 : i32
        %get3A_393 = arith.constant 5 : i32
        %get3A_394 = arith.index_cast %get3A_392 : i32 to index
        %get3A_395 = arith.index_cast %get3A_393 : i32 to index
        %get3A_396 = arith.index_cast %mul3A_73 : i32 to index
        %get3A_397 = tpu.vector_load %arg5[%get3A_394, %get3A_395, %get3A_396] {strides = array<i32>} : memref<7x8x768xf32, #tpu.memory_space<vmem>>, vector<1x1x16xf32>,
        %get3A_398 = vector.shape_cast %get3A_397 : vector<1x1x16xf32> to vector<16xf32>
        %add3A_399 = arith.addf %add3A_391, %get3A_398 : vector<16xf32>
        %get3A_400 = arith.constant 3 : i32
        %get3A_401 = arith.constant 5 : i32
        %get3A_402 = arith.index_cast %get3A_400 : i32 to index
        %get3A_403 = arith.index_cast %get3A_401 : i32 to index
        %get3A_404 = arith.index_cast %mul3A_73 : i32 to index
        %get3A_405 = tpu.vector_load %arg5[%get3A_402, %get3A_403, %get3A_404] {strides = array<i32>} : memref<7x8x768xf32, #tpu.memory_space<vmem>>, vector<1x1x16xf32>,
        %get3A_406 = vector.shape_cast %get3A_405 : vector<1x1x16xf32> to vector<16xf32>
        %add3A_407 = arith.addf %add3A_399, %get3A_406 : vector<16xf32>
        %get3A_408 = arith.constant 4 : i32
        %get3A_409 = arith.constant 5 : i32
        %get3A_410 = arith.index_cast %get3A_408 : i32 to index
        %get3A_411 = arith.index_cast %get3A_409 : i32 to index
        %get3A_412 = arith.index_cast %mul3A_73 : i32 to index
        %get3A_413 = tpu.vector_load %arg5[%get3A_410, %get3A_411, %get3A_412] {strides = array<i32>} : memref<7x8x768xf32, #tpu.memory_space<vmem>>, vector<1x1x16xf32>,
        %get3A_414 = vector.shape_cast %get3A_413 : vector<1x1x16xf32> to vector<16xf32>
        %add3A_415 = arith.addf %add3A_407, %get3A_414 : vector<16xf32>
        %get3A_416 = arith.constant 5 : i32
        %get3A_417 = arith.constant 5 : i32
        %get3A_418 = arith.index_cast %get3A_416 : i32 to index
        %get3A_419 = arith.index_cast %get3A_417 : i32 to index
        %get3A_420 = arith.index_cast %mul3A_73 : i32 to index
        %get3A_421 = tpu.vector_load %arg5[%get3A_418, %get3A_419, %get3A_420] {strides = array<i32>} : memref<7x8x768xf32, #tpu.memory_space<vmem>>, vector<1x1x16xf32>,
        %get3A_422 = vector.shape_cast %get3A_421 : vector<1x1x16xf32> to vector<16xf32>
        %add3A_423 = arith.addf %add3A_415, %get3A_422 : vector<16xf32>
        %get3A_424 = arith.constant 6 : i32
        %get3A_425 = arith.constant 5 : i32
        %get3A_426 = arith.index_cast %get3A_424 : i32 to index
        %get3A_427 = arith.index_cast %get3A_425 : i32 to index
        %get3A_428 = arith.index_cast %mul3A_73 : i32 to index
        %get3A_429 = tpu.vector_load %arg5[%get3A_426, %get3A_427, %get3A_428] {strides = array<i32>} : memref<7x8x768xf32, #tpu.memory_space<vmem>>, vector<1x1x16xf32>,
        %get3A_430 = vector.shape_cast %get3A_429 : vector<1x1x16xf32> to vector<16xf32>
        %add3A_431 = arith.addf %add3A_423, %get3A_430 : vector<16xf32>
        %swap3A_432 = arith.constant 5 : i32
        %swap3A_433 = arith.index_cast %swap3A_432 : i32 to index
        %swap3A_434 = arith.index_cast %mul3A_73 : i32 to index
        %swap3A_435 = tpu.vector_load %arg6[%swap3A_433, %swap3A_434] {strides = array<i32>} : memref<8x768xf32, #tpu.memory_space<vmem>>, vector<1x16xf32>,
        %swap3A_436 = vector.shape_cast %swap3A_435 : vector<1x16xf32> to vector<16xf32>
        %swap3A_437 = vector.shape_cast %add3A_431 : vector<16xf32> to vector<1x16xf32>
        tpu.vector_store %arg6[%swap3A_433, %swap3A_434], %swap3A_437 {add = true, strides = array<i32>} : memref<8x768xf32, #tpu.memory_space<vmem>>, vector<1x16xf32>,
        %get3A_438 = arith.constant 0 : i32
        %get3A_439 = arith.constant 6 : i32
        %get3A_440 = arith.index_cast %get3A_438 : i32 to index
        %get3A_441 = arith.index_cast %get3A_439 : i32 to index
        %get3A_442 = arith.index_cast %mul3A_73 : i32 to index
        %get3A_443 = tpu.vector_load %arg5[%get3A_440, %get3A_441, %get3A_442] {strides = array<i32>} : memref<7x8x768xf32, #tpu.memory_space<vmem>>, vector<1x1x16xf32>,
        %get3A_444 = vector.shape_cast %get3A_443 : vector<1x1x16xf32> to vector<16xf32>
        %get3A_445 = arith.constant 1 : i32
        %get3A_446 = arith.constant 6 : i32
        %get3A_447 = arith.index_cast %get3A_445 : i32 to index
        %get3A_448 = arith.index_cast %get3A_446 : i32 to index
        %get3A_449 = arith.index_cast %mul3A_73 : i32 to index
        %get3A_450 = tpu.vector_load %arg5[%get3A_447, %get3A_448, %get3A_449] {strides = array<i32>} : memref<7x8x768xf32, #tpu.memory_space<vmem>>, vector<1x1x16xf32>,
        %get3A_451 = vector.shape_cast %get3A_450 : vector<1x1x16xf32> to vector<16xf32>
        %add3A_452 = arith.addf %get3A_444, %get3A_451 : vector<16xf32>
        %get3A_453 = arith.constant 2 : i32
        %get3A_454 = arith.constant 6 : i32
        %get3A_455 = arith.index_cast %get3A_453 : i32 to index
        %get3A_456 = arith.index_cast %get3A_454 : i32 to index
        %get3A_457 = arith.index_cast %mul3A_73 : i32 to index
        %get3A_458 = tpu.vector_load %arg5[%get3A_455, %get3A_456, %get3A_457] {strides = array<i32>} : memref<7x8x768xf32, #tpu.memory_space<vmem>>, vector<1x1x16xf32>,
        %get3A_459 = vector.shape_cast %get3A_458 : vector<1x1x16xf32> to vector<16xf32>
        %add3A_460 = arith.addf %add3A_452, %get3A_459 : vector<16xf32>
        %get3A_461 = arith.constant 3 : i32
        %get3A_462 = arith.constant 6 : i32
        %get3A_463 = arith.index_cast %get3A_461 : i32 to index
        %get3A_464 = arith.index_cast %get3A_462 : i32 to index
        %get3A_465 = arith.index_cast %mul3A_73 : i32 to index
        %get3A_466 = tpu.vector_load %arg5[%get3A_463, %get3A_464, %get3A_465] {strides = array<i32>} : memref<7x8x768xf32, #tpu.memory_space<vmem>>, vector<1x1x16xf32>,
        %get3A_467 = vector.shape_cast %get3A_466 : vector<1x1x16xf32> to vector<16xf32>
        %add3A_468 = arith.addf %add3A_460, %get3A_467 : vector<16xf32>
        %get3A_469 = arith.constant 4 : i32
        %get3A_470 = arith.constant 6 : i32
        %get3A_471 = arith.index_cast %get3A_469 : i32 to index
        %get3A_472 = arith.index_cast %get3A_470 : i32 to index
        %get3A_473 = arith.index_cast %mul3A_73 : i32 to index
        %get3A_474 = tpu.vector_load %arg5[%get3A_471, %get3A_472, %get3A_473] {strides = array<i32>} : memref<7x8x768xf32, #tpu.memory_space<vmem>>, vector<1x1x16xf32>,
        %get3A_475 = vector.shape_cast %get3A_474 : vector<1x1x16xf32> to vector<16xf32>
        %add3A_476 = arith.addf %add3A_468, %get3A_475 : vector<16xf32>
        %get3A_477 = arith.constant 5 : i32
        %get3A_478 = arith.constant 6 : i32
        %get3A_479 = arith.index_cast %get3A_477 : i32 to index
        %get3A_480 = arith.index_cast %get3A_478 : i32 to index
        %get3A_481 = arith.index_cast %mul3A_73 : i32 to index
        %get3A_482 = tpu.vector_load %arg5[%get3A_479, %get3A_480, %get3A_481] {strides = array<i32>} : memref<7x8x768xf32, #tpu.memory_space<vmem>>, vector<1x1x16xf32>,
        %get3A_483 = vector.shape_cast %get3A_482 : vector<1x1x16xf32> to vector<16xf32>
        %add3A_484 = arith.addf %add3A_476, %get3A_483 : vector<16xf32>
        %get3A_485 = arith.constant 6 : i32
        %get3A_486 = arith.constant 6 : i32
        %get3A_487 = arith.index_cast %get3A_485 : i32 to index
        %get3A_488 = arith.index_cast %get3A_486 : i32 to index
        %get3A_489 = arith.index_cast %mul3A_73 : i32 to index
        %get3A_490 = tpu.vector_load %arg5[%get3A_487, %get3A_488, %get3A_489] {strides = array<i32>} : memref<7x8x768xf32, #tpu.memory_space<vmem>>, vector<1x1x16xf32>,
        %get3A_491 = vector.shape_cast %get3A_490 : vector<1x1x16xf32> to vector<16xf32>
        %add3A_492 = arith.addf %add3A_484, %get3A_491 : vector<16xf32>
        %swap3A_493 = arith.constant 6 : i32
        %swap3A_494 = arith.index_cast %swap3A_493 : i32 to index
        %swap3A_495 = arith.index_cast %mul3A_73 : i32 to index
        %swap3A_496 = tpu.vector_load %arg6[%swap3A_494, %swap3A_495] {strides = array<i32>} : memref<8x768xf32, #tpu.memory_space<vmem>>, vector<1x16xf32>,
        %swap3A_497 = vector.shape_cast %swap3A_496 : vector<1x16xf32> to vector<16xf32>
        %swap3A_498 = vector.shape_cast %add3A_492 : vector<16xf32> to vector<1x16xf32>
        tpu.vector_store %arg6[%swap3A_494, %swap3A_495], %swap3A_498 {add = true, strides = array<i32>} : memref<8x768xf32, #tpu.memory_space<vmem>>, vector<1x16xf32>,
        %get3A_499 = arith.constant 0 : i32
        %get3A_500 = arith.constant 7 : i32
        %get3A_501 = arith.index_cast %get3A_499 : i32 to index
        %get3A_502 = arith.index_cast %get3A_500 : i32 to index
        %get3A_503 = arith.index_cast %mul3A_73 : i32 to index
        %get3A_504 = tpu.vector_load %arg5[%get3A_501, %get3A_502, %get3A_503] {strides = array<i32>} : memref<7x8x768xf32, #tpu.memory_space<vmem>>, vector<1x1x16xf32>,
        %get3A_505 = vector.shape_cast %get3A_504 : vector<1x1x16xf32> to vector<16xf32>
        %get3A_506 = arith.constant 1 : i32
        %get3A_507 = arith.constant 7 : i32
        %get3A_508 = arith.index_cast %get3A_506 : i32 to index
        %get3A_509 = arith.index_cast %get3A_507 : i32 to index
        %get3A_510 = arith.index_cast %mul3A_73 : i32 to index
        %get3A_511 = tpu.vector_load %arg5[%get3A_508, %get3A_509, %get3A_510] {strides = array<i32>} : memref<7x8x768xf32, #tpu.memory_space<vmem>>, vector<1x1x16xf32>,
        %get3A_512 = vector.shape_cast %get3A_511 : vector<1x1x16xf32> to vector<16xf32>
        %add3A_513 = arith.addf %get3A_505, %get3A_512 : vector<16xf32>
        %get3A_514 = arith.constant 2 : i32
        %get3A_515 = arith.constant 7 : i32
        %get3A_516 = arith.index_cast %get3A_514 : i32 to index
        %get3A_517 = arith.index_cast %get3A_515 : i32 to index
        %get3A_518 = arith.index_cast %mul3A_73 : i32 to index
        %get3A_519 = tpu.vector_load %arg5[%get3A_516, %get3A_517, %get3A_518] {strides = array<i32>} : memref<7x8x768xf32, #tpu.memory_space<vmem>>, vector<1x1x16xf32>,
        %get3A_520 = vector.shape_cast %get3A_519 : vector<1x1x16xf32> to vector<16xf32>
        %add3A_521 = arith.addf %add3A_513, %get3A_520 : vector<16xf32>
        %get3A_522 = arith.constant 3 : i32
        %get3A_523 = arith.constant 7 : i32
        %get3A_524 = arith.index_cast %get3A_522 : i32 to index
        %get3A_525 = arith.index_cast %get3A_523 : i32 to index
        %get3A_526 = arith.index_cast %mul3A_73 : i32 to index
        %get3A_527 = tpu.vector_load %arg5[%get3A_524, %get3A_525, %get3A_526] {strides = array<i32>} : memref<7x8x768xf32, #tpu.memory_space<vmem>>, vector<1x1x16xf32>,
        %get3A_528 = vector.shape_cast %get3A_527 : vector<1x1x16xf32> to vector<16xf32>
        %add3A_529 = arith.addf %add3A_521, %get3A_528 : vector<16xf32>
        %get3A_530 = arith.constant 4 : i32
        %get3A_531 = arith.constant 7 : i32
        %get3A_532 = arith.index_cast %get3A_530 : i32 to index
        %get3A_533 = arith.index_cast %get3A_531 : i32 to index
        %get3A_534 = arith.index_cast %mul3A_73 : i32 to index
        %get3A_535 = tpu.vector_load %arg5[%get3A_532, %get3A_533, %get3A_534] {strides = array<i32>} : memref<7x8x768xf32, #tpu.memory_space<vmem>>, vector<1x1x16xf32>,
        %get3A_536 = vector.shape_cast %get3A_535 : vector<1x1x16xf32> to vector<16xf32>
        %add3A_537 = arith.addf %add3A_529, %get3A_536 : vector<16xf32>
        %get3A_538 = arith.constant 5 : i32
        %get3A_539 = arith.constant 7 : i32
        %get3A_540 = arith.index_cast %get3A_538 : i32 to index
        %get3A_541 = arith.index_cast %get3A_539 : i32 to index
        %get3A_542 = arith.index_cast %mul3A_73 : i32 to index
        %get3A_543 = tpu.vector_load %arg5[%get3A_540, %get3A_541, %get3A_542] {strides = array<i32>} : memref<7x8x768xf32, #tpu.memory_space<vmem>>, vector<1x1x16xf32>,
        %get3A_544 = vector.shape_cast %get3A_543 : vector<1x1x16xf32> to vector<16xf32>
        %add3A_545 = arith.addf %add3A_537, %get3A_544 : vector<16xf32>
        %get3A_546 = arith.constant 6 : i32
        %get3A_547 = arith.constant 7 : i32
        %get3A_548 = arith.index_cast %get3A_546 : i32 to index
        %get3A_549 = arith.index_cast %get3A_547 : i32 to index
        %get3A_550 = arith.index_cast %mul3A_73 : i32 to index
        %get3A_551 = tpu.vector_load %arg5[%get3A_548, %get3A_549, %get3A_550] {strides = array<i32>} : memref<7x8x768xf32, #tpu.memory_space<vmem>>, vector<1x1x16xf32>,
        %get3A_552 = vector.shape_cast %get3A_551 : vector<1x1x16xf32> to vector<16xf32>
        %add3A_553 = arith.addf %add3A_545, %get3A_552 : vector<16xf32>
        %swap3A_554 = arith.constant 7 : i32
        %swap3A_555 = arith.index_cast %swap3A_554 : i32 to index
        %swap3A_556 = arith.index_cast %mul3A_73 : i32 to index
        %swap3A_557 = tpu.vector_load %arg6[%swap3A_555, %swap3A_556] {strides = array<i32>} : memref<8x768xf32, #tpu.memory_space<vmem>>, vector<1x16xf32>,
        %swap3A_558 = vector.shape_cast %swap3A_557 : vector<1x16xf32> to vector<16xf32>
        %swap3A_559 = vector.shape_cast %add3A_553 : vector<16xf32> to vector<1x16xf32>
        tpu.vector_store %arg6[%swap3A_555, %swap3A_556], %swap3A_559 {add = true, strides = array<i32>} : memref<8x768xf32, #tpu.memory_space<vmem>>, vector<1x16xf32>,
        %scan3A_560 = arith.constant 0 : i32
        scf.yield %scan3A_560 : i32
      }
      %scan3A_68 = arith.constant 48 : i32
      %scan3A_69 = arith.constant 0 : i32
      scf.yield %scan3A_69 : i32
    }
    %scan3A_20 = arith.constant 5 : i32
    "tpu.region"() ({
      %run_scoped3A = tpu.sem_alloc : memref<!tpu.dma_semaphore, #tpu.memory_space<semaphore_mem>>
      %dma_start3A_21 = arith.constant 0 : i32
      %dma_start3A_22 = tpu.memref_slice %arg3[%mul3A_2, %dma_start3A_21] : memref<256x768xf32, #tpu.memory_space<hbm>> -> memref<8x768xf32, #tpu.memory_space<hbm>>
      %dma_start3A_23 = arith.constant 0 : i32
      %dma_start3A_24 = tpu.memref_slice %arg3[%mul3A_2, %dma_start3A_23] : memref<256x768xf32, #tpu.memory_space<hbm>> -> memref<8x768xf32, #tpu.memory_space<hbm>>
      tpu.enqueue_dma source(%arg6 : memref<8x768xf32, #tpu.memory_space<vmem>>) target(%dma_start3A_24 : memref<8x768xf32, #tpu.memory_space<hbm>>) target_semaphore(%run_scoped3A : memref<!tpu.dma_semaphore, #tpu.memory_space<semaphore_mem>>)
      %dma_wait3A = arith.constant 0 : i32
      %dma_wait3A_25 = tpu.memref_slice %arg3[%mul3A_2, %dma_wait3A] : memref<256x768xf32, #tpu.memory_space<hbm>> -> memref<8x768xf32, #tpu.memory_space<hbm>>
      %dma_wait3A_26 = arith.constant 0 : i32
      %dma_wait3A_27 = tpu.memref_slice %arg3[%mul3A_2, %dma_wait3A_26] : memref<256x768xf32, #tpu.memory_space<hbm>> -> memref<8x768xf32, #tpu.memory_space<hbm>>
      tpu.wait_dma2 semaphore(%run_scoped3A : memref<!tpu.dma_semaphore, #tpu.memory_space<semaphore_mem>>) src(%arg6 : memref<8x768xf32, #tpu.memory_space<vmem>>) dst(%dma_wait3A_27 : memref<8x768xf32, #tpu.memory_space<hbm>>)
      tpu.yield
    }) : () -> ()
    return
  }
}

module attributes {stable_mosaic.version = 14 : i64} {
  func.func @_tc_head(%arg0: memref<256x768xf32, #tpu.memory_space<vmem>>, %arg1: memref<256x768xf32, #tpu.memory_space<vmem>>, %arg2: memref<10x768xf32, #tpu.memory_space<vmem>>, %arg3: memref<1x10xf32, #tpu.memory_space<vmem>>, %arg4: memref<256x10xf32, #tpu.memory_space<vmem>>) attributes {dimension_semantics = [], scalar_prefetch = 0 : i64, scratch_operands = 0 : i64, tpu.core_type = #tpu.core_type<tc>} {
    %get3A = arith.constant 0 : index
    %get3A_0 = arith.constant 0 : index
    %get3A_1 = vector.load %arg0[%get3A, %get3A_0] : memref<256x768xf32, #tpu.memory_space<vmem>>, vector<256x768xf32>
    %get3A_2 = arith.constant 0 : index
    %get3A_3 = arith.constant 0 : index
    %get3A_4 = vector.load %arg1[%get3A_2, %get3A_3] : memref<256x768xf32, #tpu.memory_space<vmem>>, vector<256x768xf32>
    %add3A = arith.addf %get3A_1, %get3A_4 : vector<256x768xf32>
    %mul3A = arith.constant 0.00510204071 : f32
    %mul3A_5 = vector.broadcast %mul3A : f32 to vector<256x768xf32>
    %mul3A_6 = arith.mulf %add3A, %mul3A_5 : vector<256x768xf32>
    %get3A_7 = arith.constant 0 : index
    %get3A_8 = arith.constant 0 : index
    %get3A_9 = vector.load %arg2[%get3A_7, %get3A_8] : memref<10x768xf32, #tpu.memory_space<vmem>>, vector<10x768xf32>
    %dot_general3A = arith.constant dense<0.000000e+00> : vector<256x10xf32>
    %dot_general3A_10 = tpu.matmul %mul3A_6, %get3A_9, %dot_general3A {dimension_numbers = #tpu.dot_dimension_numbers<[1], [1], [0], [0], [0, 0, 1, 0], [], []>, transpose_lhs_hint = false} : vector<256x768xf32>, vector<10x768xf32>, vector<256x10xf32> -> vector<256x10xf32>
    %get3A_11 = arith.constant 0 : index
    %get3A_12 = arith.constant 0 : index
    %get3A_13 = vector.load %arg3[%get3A_11, %get3A_12] : memref<1x10xf32, #tpu.memory_space<vmem>>, vector<1x10xf32>
    %add3A_14 = vector.broadcast %get3A_13 : vector<1x10xf32> to vector<256x10xf32>
    %add3A_15 = arith.addf %dot_general3A_10, %add3A_14 : vector<256x10xf32>
    %swap3A = arith.constant 0 : index
    %swap3A_16 = arith.constant 0 : index
    %swap3A_17 = vector.load %arg4[%swap3A, %swap3A_16] : memref<256x10xf32, #tpu.memory_space<vmem>>, vector<256x10xf32>
    tpu.vector_store %arg4[%swap3A, %swap3A_16], %add3A_15 {strides = array<i32>} : memref<256x10xf32, #tpu.memory_space<vmem>>, vector<256x10xf32>,
    return
  }
}

module attributes {stable_mosaic.version = 14 : i64} {
  func.func @_tc_pool_body(%arg0: i32, %arg1: memref<14x256x768xf32, #tpu.memory_space<vmem>>, %arg2: memref<256x768xf32, #tpu.memory_space<vmem>>, %arg3: memref<256x768xf32, #tpu.memory_space<vmem>>) attributes {dimension_semantics = [#tpu.dimension_semantics<arbitrary>], iteration_bounds = array<i64: 9>, scalar_prefetch = 0 : i64, scratch_operands = 1 : i64, tpu.core_type = #tpu.core_type<tc>, window_params = [{transform_indices = @transform_0, window_bounds = array<i64: 14, 256, 768>}, {pipeline_mode = #tpu.pipeline_mode<synchronous>, transform_indices = @transform_1, window_bounds = array<i64: 256, 768>}]} {
    %get3A = arith.constant 0 : index
    %get3A_0 = arith.constant 0 : index
    %get3A_1 = arith.constant 0 : index
    %get3A_2 = vector.load %arg1[%get3A, %get3A_0, %get3A_1] : memref<14x256x768xf32, #tpu.memory_space<vmem>>, vector<14x256x768xf32>
    %reduce_sum3A = arith.constant dense<0.000000e+00> : vector<256x768xf32>
    %reduce_sum3A_3 = vector.multi_reduction <add>, %get3A_2, %reduce_sum3A [0] : vector<14x256x768xf32> to vector<256x768xf32>
    %eq3A = arith.constant 0 : i32
    %eq3A_4 = arith.cmpi eq, %arg0, %eq3A : i32
    %convert_element_type3A = arith.extui %eq3A_4 : i1 to i32
    %cond3A = arith.constant 0 : i32
    %cond3A_5 = arith.cmpi ne, %convert_element_type3A, %cond3A : i32
    scf.if %cond3A_5 {
      %swap3A = arith.constant 0 : index
      %swap3A_15 = arith.constant 0 : index
      %swap3A_16 = vector.load %arg3[%swap3A, %swap3A_15] : memref<256x768xf32, #tpu.memory_space<vmem>>, vector<256x768xf32>
      tpu.vector_store %arg3[%swap3A, %swap3A_15], %reduce_sum3A_3 {strides = array<i32>} : memref<256x768xf32, #tpu.memory_space<vmem>>, vector<256x768xf32>,
    } else {
    }
    %gt3A = arith.constant 0 : i32
    %gt3A_6 = arith.cmpi sgt, %arg0, %gt3A : i32
    %convert_element_type3A_7 = arith.extui %gt3A_6 : i1 to i32
    %cond3A_8 = arith.constant 0 : i32
    %cond3A_9 = arith.cmpi ne, %convert_element_type3A_7, %cond3A_8 : i32
    scf.if %cond3A_9 {
      %get3A_15 = arith.constant 0 : index
      %get3A_16 = arith.constant 0 : index
      %get3A_17 = vector.load %arg3[%get3A_15, %get3A_16] : memref<256x768xf32, #tpu.memory_space<vmem>>, vector<256x768xf32>
      %add3A = arith.addf %get3A_17, %reduce_sum3A_3 : vector<256x768xf32>
      %swap3A = arith.constant 0 : index
      %swap3A_18 = arith.constant 0 : index
      %swap3A_19 = vector.load %arg3[%swap3A, %swap3A_18] : memref<256x768xf32, #tpu.memory_space<vmem>>, vector<256x768xf32>
      tpu.vector_store %arg3[%swap3A, %swap3A_18], %add3A {strides = array<i32>} : memref<256x768xf32, #tpu.memory_space<vmem>>, vector<256x768xf32>,
    } else {
    }
    %eq3A_10 = arith.constant 8 : i32
    %eq3A_11 = arith.cmpi eq, %arg0, %eq3A_10 : i32
    %convert_element_type3A_12 = arith.extui %eq3A_11 : i1 to i32
    %cond3A_13 = arith.constant 0 : i32
    %cond3A_14 = arith.cmpi ne, %convert_element_type3A_12, %cond3A_13 : i32
    scf.if %cond3A_14 {
      %get3A_15 = arith.constant 0 : index
      %get3A_16 = arith.constant 0 : index
      %get3A_17 = vector.load %arg3[%get3A_15, %get3A_16] : memref<256x768xf32, #tpu.memory_space<vmem>>, vector<256x768xf32>
      %swap3A = arith.constant 0 : index
      %swap3A_18 = arith.constant 0 : index
      %swap3A_19 = vector.load %arg2[%swap3A, %swap3A_18] : memref<256x768xf32, #tpu.memory_space<vmem>>, vector<256x768xf32>
      tpu.vector_store %arg2[%swap3A, %swap3A_18], %get3A_17 {strides = array<i32>} : memref<256x768xf32, #tpu.memory_space<vmem>>, vector<256x768xf32>,
    } else {
    }
    return
  }
  func.func @transform_0(%arg0: i32) -> (i32, i32, i32) {
    %c0_i32 = arith.constant 0 : i32
    %c0_i32_0 = arith.constant 0 : i32
    %c0_i32_1 = arith.constant 0 : i32
    return %arg0, %c0_i32, %c0_i32_0 : i32, i32, i32
  }
  func.func @transform_1(%arg0: i32) -> (i32, i32) {
    %c0_i32 = arith.constant 0 : i32
    %c0_i32_0 = arith.constant 0 : i32
    %c0_i32_1 = arith.constant 0 : i32
    return %c0_i32, %c0_i32_0 : i32, i32
  }
}

</mosaic_0001>

<sc_bundles>
// kernel: kernel.5.cloned.1.call-start
scs
__scs_entry_jumppad:
0x0: {  	(pc) =	sbr.rel $0x88, $3  }
0x1: {  	(tag) =	ssettag $0x0;
	lr =	simm.s32 $0x1  }
0x2: {  	[smem:$0x3F9E] =	sst lr;
	_ =	strace $0xD0000000  }
0x3: {  	_ = 	snop  }
0x4: {  	_ = 	snop  }
0x5: {  	_ = 	snop  }
0x6: {  	_ = 	snop  }
0x7: {  	_ = 	snop  }
__scs_overlays_trampoline_lowered:
0x8: {  	[smem:$0x3FAD] =	sst s0  }
0x9: {  	[smem:$0x3FAE] =	sst s1  }
0xa: {  	[smem:$0x3FAF] =	sst s2  }
0xb: {  	[smem:$0x3FB0] =	sst s3  }
0xc: {  	[smem:$0x3FB1] =	sst s4  }
0xd: {  	[smem:$0x3FB2] =	sst s5  }
0xe: {  	[smem:$0x3FB3] =	sst s6  }
0xf: {  	[smem:$0x3FB4] =	sst s7  }
0x10: {  	[smem:$0x3FB5] =	sst s8  }
0x11: {  	[smem:$0x3FB6] =	sst s9;
	s0 =	simm.s32 @!p0 $0x0  }
0x12: {  	s1 =	sld [smem:$0x3F9C];
	s0 =	simm.s32 @p0 $0x1  }
0x13: {  	[smem:$0x3FB7] =	sst s0;
	s0 =	simm.s32 @!p1 $0x0  }
0x14: {  	s2 =	sld [smem:$0x3F9B];
	s0 =	simm.s32 @p1 $0x1  }
0x15: {  	[smem:$0x3FB8] =	sst s0;
	s0 =	simm.s32 @!p2 $0x0  }
0x16: {  	s3 =	sld [smem:$0x3FDB];
	s0 =	simm.s32 @p2 $0x1  }
0x17: {  	s4 =	simm.s32 $0x1BF5;
	[smem:$0x3FBA] =	sst s0  }
0x18: {  	s0 =	sld [smem:$0x3F9D];
	_ =	swait.ge [sflag:s4], $0x0  }
0x19: {  	s7 =	sld [smem:$0x3F9E]  }
0x1a: {  	s8 =	sadd.s32 $0xFFFFE003, lr  }
0x1b: {  	s9 =	sadd.s32 $0xFFFFFEF7, lr;
	s5 =	simm.s32 $0xFFFFFFFF;
	p2 =	slt.u32 s8, $0xFFFFF086  }
0x1c: {  	p1 =	slt.u32 s9, $0xF7A;
	s5 =	simm.s32 @!p2 $0x0  }
0x1d: {  	s5 =	simm.s32 @p1 $0x1;
	p0 =	seq.s32 s7, s2  }
0x1e: {  	s7 =	smul.u32 @!p0 $0xF7A, s2;
	p2 =	seq.s32 @!p0 s5, $0x0  }
0x1f: {  	s9 =	smul.u32 $0xF7A, s1;
	s8 =	simm.s32 @!p0 $0x1BF5;
	p2 =	por !p2, p0  }
0x20: {  	[sflag:s8] =	ssyncset.s32 @!p0 $0xFFFFF086;
	s6 =	sadd.s32 @!p0 s3, s7;
	s7 =	simm.s32 @!p0 $0x108  }
0x21: {  	s3 =	sadd.s32 s3, s9;
	s6 =	sadd.s32 @!p0 $0x88, s6;
	s7 =	simm.s32 @p2 $0x1082  }
0x22: {  	[simem:s7], [sflag:s8] =	dma.local @!p0 [hbm:s6], $0xF7A  }
0x23: {  	s9 =	sor.u32 $0xD0000000, s2;
	s6 =	simm.s32 $0x108;
	_ =	swait.ge @!p0 [sflag:s8], $0x0  }
0x24: {  	s3 =	sadd.s32 $0x88, s3;
	s6 =	simm.s32 @!p1 $0x1082;
	[sflag:s4] =	ssyncset.s32 $0xFFFFF086  }
0x25: {  	[simem:s6], [sflag:s4] =	dma.local [hbm:s3], $0xF7A  }
0x26: {  	[smem:$0x3F9E] =	sst s1;
	(tag) =	ssettag s2;
	_ =	strace s9  }
0x27: {  	s1 =	sld [smem:$0x3FAE]  }
0x28: {  	s2 =	sld [smem:$0x3FAF]  }
0x29: {  	s4 =	sld [smem:$0x3FB1]  }
0x2a: {  	p0 =	seq.s32 s5, $0x0;
	s5 =	sld [smem:$0x3FB2]  }
0x2b: {  	s6 =	sld [smem:$0x3FB3]  }
0x2c: {  	s7 =	sld [smem:$0x3FB4]  }
0x2d: {  	s3 =	simm.s32 $0x108;
	s8 =	sld [smem:$0x3FB5]  }
0x2e: {  	s3 =	simm.s32 @!p0 $0x1082;
	s9 =	sld [smem:$0x3FB6]  }
0x2f: {  	lr =	sadd.s32 s0, s3;
	s0 =	sld [smem:$0x3FAD]  }
0x30: {  	s3 =	sld [smem:$0x3FB0]  }
0x31: {  	[smem:$0x3FB9] =	sst s10  }
0x32: {  	s10 =	sld [smem:$0x3FB7];
	_ =	sdelay $0x3  }
0x33: {  	p0 =	seq.s32 s10, $0x1;
	s10 =	sld [smem:$0x3FB9];
	_ =	sdelay $0x3  }
0x34: {  	[smem:$0x3FB9] =	sst s10  }
0x35: {  	s10 =	sld [smem:$0x3FB8];
	_ =	sdelay $0x3  }
0x36: {  	p1 =	seq.s32 s10, $0x1;
	s10 =	sld [smem:$0x3FB9];
	_ =	sdelay $0x3  }
0x37: {  	[smem:$0x3FB9] =	sst s10  }
0x38: {  	s10 =	sld [smem:$0x3FBA]  }
0x39: {  	_ = 	snop;
	(pc) =	sbr.ind lr, $3  }
0x3a: {  	_ = 	snop  }
0x3b: {  	_ = 	snop  }
0x3c: {  	p2 =	seq.s32 s10, $0x1;
	s10 =	sld [smem:$0x3FB9]  }
0x3d: {  	_ =	shalt  }
0x3e: {  	_ =	shalt  }
0x3f: {  	_ =	shalt  }
0x40: {  	_ =	shalt  }
0x41: {  	_ =	shalt  }
0x42: {  	_ =	shalt  }
0x43: {  	_ =	shalt  }
0x44: {  	_ =	shalt  }
0x45: {  	_ =	shalt  }
0x46: {  	_ =	shalt  }
0x47: {  	_ =	shalt  }
0x48: {  	_ =	shalt  }
0x49: {  	_ =	shalt  }
0x4a: {  	_ =	shalt  }
0x4b: {  	_ =	shalt  }
0x4c: {  	_ =	shalt  }
0x4d: {  	_ =	shalt  }
0x4e: {  	_ =	shalt  }
0x4f: {  	_ =	shalt  }
0x50: {  	_ =	shalt  }
0x51: {  	_ =	shalt  }
0x52: {  	_ =	shalt  }
0x53: {  	_ =	shalt  }
0x54: {  	_ =	shalt  }
0x55: {  	_ =	shalt  }
0x56: {  	_ =	shalt  }
0x57: {  	_ =	shalt  }
0x58: {  	_ =	shalt  }
0x59: {  	_ =	shalt  }
0x5a: {  	_ =	shalt  }
0x5b: {  	_ =	shalt  }
0x5c: {  	_ =	shalt  }
0x5d: {  	_ =	shalt  }
0x5e: {  	_ =	shalt  }
0x5f: {  	_ =	shalt  }
0x60: {  	_ =	shalt  }
0x61: {  	_ =	shalt  }
0x62: {  	_ =	shalt  }
0x63: {  	_ =	shalt  }
0x64: {  	_ =	shalt  }
0x65: {  	_ =	shalt  }
0x66: {  	_ =	shalt  }
0x67: {  	_ =	shalt  }
0x68: {  	_ =	shalt  }
0x69: {  	_ =	shalt  }
0x6a: {  	_ =	shalt  }
0x6b: {  	_ =	shalt  }
0x6c: {  	_ =	shalt  }
0x6d: {  	_ =	shalt  }
0x6e: {  	_ =	shalt  }
0x6f: {  	_ =	shalt  }
0x70: {  	_ =	shalt  }
0x71: {  	_ =	shalt  }
0x72: {  	_ =	shalt  }
0x73: {  	_ =	shalt  }
0x74: {  	_ =	shalt  }
0x75: {  	_ =	shalt  }
0x76: {  	_ =	shalt  }
0x77: {  	_ =	shalt  }
0x78: {  	_ =	shalt  }
0x79: {  	_ =	shalt  }
0x7a: {  	_ =	shalt  }
0x7b: {  	_ =	shalt  }
0x7c: {  	_ =	shalt  }
0x7d: {  	_ =	shalt  }
0x7e: {  	_ =	shalt  }
0x7f: {  	_ =	shalt  }
0x80: {  	_ =	shalt  }
0x81: {  	_ =	shalt  }
0x82: {  	_ =	shalt  }
0x83: {  	_ =	shalt  }
0x84: {  	_ =	shalt  }
0x85: {  	_ =	shalt  }
0x86: {  	_ =	shalt  }
0x87: {  	_ =	shalt  }
.Lfunc_end0:
.L_simem_size_0:
called_computation_lowered:
.L_overlay_start_0:
0x88: {  	s2 =	sld [smem:$0x3FD9]  }
0x89: {  	s3 =	sld [smem:$0x3FFE];
	_ =	sdelay $0x1  }
0x8a: {  	s1 =	srdreg.scid  }
0x8b: {  	s0 =	sand.u32 $0x1, s1  }
0x8c: {  	s17 =	sshll.u32 s0, $0xA;
	s2 =	sadd.s32 s3, s2  }
0x8d: {  	s2 =	sadd.s32 s2, s17  }
0x8e: {  	[smem:$0x3FC5] =	sst s2  }
0x8f: {  	_ = 	snop  }
0x90: {  	s2 =	sld [smem:$0x3FC9];
	(tm) =	ssettm $0x1  }
0x91: {  	s18 =	sld [smem:$0x3FFB];
	_ =	sdelay $0x3  }
0x92: {  	_ =	strace s18  }
0x93: {  	s3 =	sld [smem:$0x3FFC];
	_ =	sdelay $0x3  }
0x94: {  	_ =	strace s3  }
0x95: {  	s3 =	sld [smem:$0x3FFD];
	_ =	sdelay $0x3  }
0x96: {  	_ =	strace s3  }
0x97: {  	_ =	strace $0x8FFFFFFF  }
0x98: {  	s19 =	sld [smem:$0x3FDB];
	_ =	sdelay $0x1  }
0x99: {  	s4 =	simm.s32 $_scs_section_size  }
0x9a: {  	s5 =	simm.s32 $_size__tile_overlayer_lowered;
	s6 =	simm.s32 $_tile_overlayer_lowered  }
0x9b: {  	s22 =	simm.s32 $0x1BFF;
	s21 =	sshll.u32 s6, $0x1;
	s3 =	sadd.s32 s4, s19  }
0x9c: {  	s7 =	simm.s32 $0x0;
	s20 =	sshll.u32 s5, $0x1;
	s5 =	sadd.s32 s21, s3  }
0x9d: {  	[timem:s7], [sflag:s22] =	dma.local [hbm:s5], s20  }
0x9e: {  	_ =	swait.ge [sflag:s22], s20  }
0x9f: {  	s4 =	ssub.s32 $0x0, s20;
	[sflag:s22] =	ssyncset.done $0x0  }
0xa0: {  	[sflag:s22] =	ssyncadd.s32 s4;
	_ =	sdelay $0x1  }
0xa1: {  	s23 =	simm.s32 $0x1B8B  }
0xa2: {  	_ =	swait.ge [sflag:s23], $0x1  }
0xa3: {  	[sflag:s23] =	ssyncset.done $0x0  }
0xa4: {  	s25 =	simm.s32 $0x1B8E;
	s24 =	sld [smem:$0x3FFE];
	[sflag:s23] =	ssyncadd.s32 $0xFFFFFFFF  }
0xa5: {  	s26 =	simm.s32 $execute0_lowered;
	[smem:$0x3FD2] =	sst s25  }
0xa6: {  	s5 =	sshll.u32 s26, $0x1;
	_ =	strace $0x80000046;
	[dreg:$0x1] =	wrdreg $0xFFFFFFFF  }
0xa7: {  	s28 =	simm.s32 $_size_execute0_lowered;
	s3 =	sadd.s32 s3, s5;
	[dreg:$0x0] =	wrdreg $0x0  }
0xa8: {  	s5 =	sshll.u32 s28, $0x1;
	[dreg:$0x2] =	wrdreg s3  }
0xa9: {  	[dreg:$0x3] =	wrdreg s5  }
0xaa: {  	[dreg:$0x4] =	wrdreg $0xC0  }
0xab: {  	_ =	task [dreg:s7], $0x5FFFF  }
0xac: {  	[dreg:$0x1] =	wrdreg $0xFFFFFFFF  }
0xad: {  	[dreg:$0x0] =	wrdreg $0x60  }
0xae: {  	[dreg:$0x2] =	wrdreg s2  }
0xaf: {  	[dreg:$0x3] =	wrdreg s24  }
0xb0: {  	[dreg:$0x4] =	wrdreg $0x9  }
0xb1: {  	_ =	task.clear_ibuf [dreg:s7], $0x5FFFF;
	_ =	strace $0x90000046  }
0xb2: {  	s29 =	simm.s32 $0x9;
	_ =	strace $0x80000048  }
0xb3: {  	_ =	swait.ge [sflag:s29], $0x1  }
0xb4: {  	[sflag:s29] =	ssyncadd.s32 $0xFFFFFFFF  }
0xb5: {  	_ =	strace $0x90000048  }
0xb6: {  	_ =	sfence  }
0xb7: {  	s30 =	sld [smem:$0x0];
	_ =	sdelay $0x2  }
0xb8: {  	s31 =	sshll.u32 s1, $0xD;
	s1 =	sshrl.u32 s1, $0x2  }
0xb9: {  	s3 =	sand.u32 $0x4000, s31;
	s1 =	sadd.s32 s1, s30  }
0xba: {  	s0 =	sor.u32 s3, s0;
	s1 =	sshll.u32 s1, $0x11  }
0xbb: {  	s0 =	sor.u32 s1, s0  }
0xbc: {  	s0 =	sadd.s32 $0x8F2B, s0  }
0xbd: {  	[sflag:s0] =	ssyncadd.remote.s32 $0x1  }
0xbe: {  	_ =	sfence.sel $0xFFFF  }
0xbf: {  	[dreg:$0x0] =	wrdreg $0xFFFFFFFF;
	(pc) =	sbr.abs _section_cstart, $3  }
0xc0: {  	[dreg:$0x1] =	wrdreg $0xFFFFFFFF  }
0xc1: {  	_ =	task.clear_ibuf [dreg:s7], $0x2FFFF;
	_ =	strace $0x9FFFFFFF  }
0xc2: {  	(tm) =	ssettm $0x7FFFFFFF  }
0xc3: {  	_ =	shalt  }
tec
execute0_lowered:
.L_overlay_start_1:
0x0: {  	(tag) =	ssettag $0x1  }
0x1: {  	s1 =	srdreg.scid;
	s2 =	rddreg [dreg:$0x0]  }
0x2: {  	s0 =	stileid.u32;
	s5 =	rddreg [dreg:$0x1]  }
0x3: {  	s3 =	simm.s32 $0x0;
	s10 =	simm.s32 $0x30000;
	s11 =	simm.s32 $0xA800  }
0x4: {  	s12 =	simm.s32 $0x1;
	s4 =	sand.u32 $0x1, s1;
	s31 =	sshll.u32 s0, $0x1  }
0x5: {  	s13 =	simm.s32 $0x2;
	s14 =	simm.s32 $0x15000;
	s1 =	sor.u32 s4, s31  }
0x6: {  	s15 =	simm.s32 $0x3;
	s4 =	ssub.s32 $0x2, s4;
	s6 =	smul.u32 $0x1800, s1  }
0x7: {  	s16 =	simm.s32 $0x0;
	[smem:$0x7FF] =	sst s3;
	s8 =	sshrl.u32 s4, $0x1  }
0x8: {  	s1 =	rddreg [dreg:$0x2];
	s8 =	ssub.s32 s4, s8;
	s7 =	sshrl.u32 s6, $0x3  }
0x9: {  	_ =	strace $0x80000047;
	s8 =	smax.u32 s8, $0x1;
	s9 =	sadd.s32 s2, s7  }
0xa: {  	s7 =	sadd.s32 s7, s5;
	s5 =	sadd.s32 $0x18F0000, s6;
	s6 =	sor.u32 $0x1A40000, s6  }
0xb: {  	v0 =	vimm.f32 $0.0e+00;
	s4 =	sadd.s32 $0x2F4000, s9;
	s7 =	sadd.s32 $0xA00, s7;
	s9 =	simm.s32 $0x1800  }
.LBB2_1:
0xc: {  	s17 =	sand.u32 $0x70, s3;
	s18 =	sand.u32 $0x1C00, s3  }
0xd: {  	s18 =	sor.u32 s17, s18  }
0xe: {  	s17 =	sadd.s32 $0x15000, s18;
	[tilespmem:s18+$0x15000] =	vst v0  }
0xf: {  	[tilespmem:s17+$0x300] =	vst v0  }
0x10: {  	[tilespmem:s17+$0x280] =	vst v0  }
0x11: {  	[tilespmem:s17+$0x200] =	vst v0  }
0x12: {  	s31 =	sor.u32 s3, s3;
	[tilespmem:s17+$0x100] =	vst v0  }
0x13: {  	s20 =	simm.s32 $0x10;
	s19 =	sor.u32 $0x380, s31;
	s18 =	simm.s32 $0x80;
	[tilespmem:s17+$0x80] =	vst v0  }
.LBB2_2:
0x14: {  	s21 =	sand.u32 $0x70, s20  }
0x15: {  	s22 =	sand.u32 $0x1C00, s18;
	[tilespmem:s17+$0x180] =	vst v0;
	s23 =	smov.u32 s20;
	s24 =	sadd.s32 $0x10, s20  }
0x16: {  	p0 =	sne.s32 s20, $0x2F0;
	s21 =	sor.u32 s21, s22;
	[tilespmem:s19+$0x15000] =	vst v0  }
0x17: {  	s17 =	sadd.s32 $0x15000, s21;
	[tilespmem:s21+$0x15000] =	vst v0  }
.Ltmp0:
0x18: {  	[tilespmem:s17+$0x300] =	vst v0;
	(pc) =	sbr.rel @p0 .LBB2_2-.Ltmp0, $4  }
0x19: {  	[tilespmem:s17+$0x280] =	vst v0  }
0x1a: {  	[tilespmem:s17+$0x200] =	vst v0  }
0x1b: {  	s19 =	sor.u32 s18, s23;
	[tilespmem:s17+$0x100] =	vst v0  }
0x1c: {  	s18 =	sadd.s32 $0x80, s18;
	s20 =	smov.u32 s24;
	s19 =	sor.u32 $0x380, s19;
	[tilespmem:s17+$0x80] =	vst v0  }
0x1d: {  	[tilespmem:s17+$0x180] =	vst v0  }
0x1e: {  	s17 =	simm.s32 $0x0;
	s18 =	simm.s32 $0x0;
	[tilespmem:s19+$0x15000] =	vst v0  }
0x1f: {  	[tilespmem:s17], [sflag:$0x1] =	stream.strided.gather [hbm4b:s4+s9], $0xA800, s10, s9, $0x38;
	[tilespmem:$0x16800] =	vst v63  }
.LBB2_4:
0x20: {  	s19 =	smul.u32 $0x2A0000, s18;
	_ =	sdelay $0x1  }
0x21: {  	s20 =	sadd.s32 s19, s5  }
0x22: {  	s20 =	sshrl.u32 s20, $0x3  }
0x23: {  	s20 =	sadd.s32 s2, s20  }
0x24: {  	[tilespmem:s11], [sflag:$0x2] =	stream.strided.gather [hbm4b:s20+s9], $0xA800, s10, s9, $0x38;
	[tilespmem:$0x16800] =	vst v63  }
0x25: {  	_ =	swait.ge [sflag:s12], $0xA800  }
0x26: {  	s31 =	sand.u32 $0x70, s17;
	s21 =	sand.u32 $0x1C00, s17;
	[sflag:s12] =	ssyncset.done $0x0  }
0x27: {  	s20 =	sor.u32 s31, s21;
	[sflag:s12] =	ssyncadd.s32 $0xFFFF5800  }
0x28: {  	v1 =	vld [tilespmem:s20+$0x1B80]  }
0x29: {  	v10 =	vld [tilespmem:s20+$0x9000]  }
0x2a: {  	v9 =	vld [tilespmem:s20+$0x9080]  }
0x2b: {  	v8 =	vld [tilespmem:s20+$0x9100]  }
0x2c: {  	v3 =	vld [tilespmem:s20+$0x9180]  }
0x2d: {  	v2 =	vld [tilespmem:s20+$0x9200]  }
0x2e: {  	v15 =	vld [tilespmem:s20+$0x7800]  }
0x2f: {  	v14 =	vld [tilespmem:s20+$0x7880]  }
0x30: {  	v12 =	vld [tilespmem:s20+$0x7900]  }
0x31: {  	v5 =	vld [tilespmem:s20+$0x7980]  }
0x32: {  	v4 =	vld [tilespmem:s20+$0x7A00]  }
0x33: {  	v22 =	vld [tilespmem:s20+$0x6000]  }
0x34: {  	v24 =	vld [tilespmem:s20+$0x6080]  }
0x35: {  	v16 =	vld [tilespmem:s20+$0x6100]  }
0x36: {  	v7 =	vld [tilespmem:s20+$0x6180]  }
0x37: {  	v6 =	vld [tilespmem:s20+$0x6200]  }
0x38: {  	v20 =	vld [tilespmem:s20+$0x4800]  }
0x39: {  	v23 =	vld [tilespmem:s20+$0x4880]  }
0x3a: {  	v26 =	vld [tilespmem:s20+$0x4900]  }
0x3b: {  	v13 =	vld [tilespmem:s20+$0x4980]  }
0x3c: {  	v11 =	vld [tilespmem:s20+$0x4A00]  }
0x3d: {  	v19 =	vld [tilespmem:s20+$0x3000]  }
0x3e: {  	v17 =	vld [tilespmem:s20+$0x1800]  }
0x3f: {  	v18 =	vld [tilespmem:s20+$0x0]  }
0x40: {  	v21 =	vld [tilespmem:s20+$0x80]  }
0x41: {  	v25 =	vld [tilespmem:s20+$0x1880]  }
0x42: {  	v27 =	vld [tilespmem:s20+$0x100]  }
0x43: {  	v28 =	vld [tilespmem:s20+$0x1900]  }
0x44: {  	v29 =	vld [tilespmem:s20+$0x3080]  }
0x45: {  	v30 =	vld [tilespmem:s20+$0x3100]  }
0x46: {  	v31 =	vadd.f32 v17, v18;
	v18 =	vld [tilespmem:s20+$0x3180]  }
0x47: {  	v21 =	vadd.f32 v25, v21;
	v17 =	vld [tilespmem:s20+$0x3200]  }
0x48: {  	v27 =	vadd.f32 v28, v27;
	v25 =	vadd.f32 v19, v31;
	v19 =	vld [tilespmem:s20+$0x180]  }
0x49: {  	v28 =	vadd.f32 v29, v21;
	v21 =	vld [tilespmem:s20+$0x1980]  }
0x4a: {  	v27 =	vadd.f32 v30, v27;
	v25 =	vadd.f32 v20, v25;
	v20 =	vld [tilespmem:s20+$0x200]  }
0x4b: {  	v28 =	vadd.f32 v23, v28;
	v23 =	vld [tilespmem:s20+$0x1A00]  }
0x4c: {  	v27 =	vadd.f32 v26, v27;
	v25 =	vadd.f32 v22, v25;
	v22 =	vld [tilespmem:s20+$0x280]  }
0x4d: {  	s23 =	simm.s32 $0x10;
	s22 =	simm.s32 $0x0;
	s21 =	simm.s32 $0x0;
	v26 =	vadd.f32 v24, v28;
	v24 =	vld [tilespmem:s20+$0x1A80]  }
.LBB2_5:
0x4e: {  	p0 =	sne.s32 s23, $0x2F0;
	v15 =	vadd.f32 v15, v25;
	v16 =	vadd.f32 v16, v27;
	v25 =	vld [tilespmem:s20+$0x300]  }
0x4f: {  	v14 =	vadd.f32 v14, v26;
	v26 =	vld [tilespmem:s20+$0x1B00]  }
0x50: {  	v10 =	vadd.f32 v10, v15;
	v12 =	vadd.f32 v12, v16;
	v15 =	vld [tilespmem:s20+$0x3280]  }
0x51: {  	v9 =	vadd.f32 v9, v14;
	v14 =	vadd.f32 v21, v19;
	v16 =	vld [tilespmem:s20+$0x3300]  }
0x52: {  	v8 =	vadd.f32 v8, v12;
	v12 =	vadd.f32 v23, v20;
	v19 =	vld [tilespmem:s20+$0x4A80]  }
0x53: {  	v14 =	vadd.f32 v18, v14;
	v18 =	vadd.f32 v24, v22;
	v20 =	vld [tilespmem:s20+$0x4B00]  }
0x54: {  	v12 =	vadd.f32 v17, v12;
	v17 =	vld [tilespmem:s20+$0x6280];
	v21 =	vadd.f32 v26, v25  }
0x55: {  	v13 =	vadd.f32 v13, v14;
	v14 =	vadd.f32 v15, v18;
	v15 =	vld [tilespmem:s20+$0x6300]  }
0x56: {  	v11 =	vadd.f32 v11, v12;
	v12 =	vld [tilespmem:s20+$0x7A80];
	v16 =	vadd.f32 v16, v21  }
0x57: {  	v7 =	vadd.f32 v7, v13;
	v13 =	vadd.f32 v19, v14;
	v14 =	vld [tilespmem:s20+$0x7B00]  }
0x58: {  	v6 =	vadd.f32 v6, v11;
	v11 =	vld [tilespmem:s20+$0x9280];
	v16 =	vadd.f32 v20, v16  }
0x59: {  	v5 =	vadd.f32 v5, v7;
	v7 =	vadd.f32 v17, v13;
	v13 =	vld [tilespmem:s20+$0x9300]  }
0x5a: {  	[tilespmem:s20+$0x15000] =	vst.add.f32.msk $0xffff, v10;
	v4 =	vadd.f32 v4, v6;
	v6 =	vadd.f32 v15, v16  }
0x5b: {  	[tilespmem:s20+$0x15080] =	vst.add.f32.msk $0xffff, v9;
	v3 =	vadd.f32 v3, v5;
	v5 =	vadd.f32 v12, v7  }
0x5c: {  	[tilespmem:s20+$0x15100] =	vst.add.f32.msk $0xffff, v8;
	v2 =	vadd.f32 v2, v4;
	v4 =	vadd.f32 v14, v6  }
0x5d: {  	[tilespmem:s20+$0x15180] =	vst.add.f32.msk $0xffff, v3;
	v3 =	vadd.f32 v11, v5  }
0x5e: {  	[tilespmem:s20+$0x15200] =	vst.add.f32.msk $0xffff, v2;
	v2 =	vadd.f32 v13, v4  }
0x5f: {  	s24 =	sor.u32 s22, s21;
	s21 =	smov.u32 s23;
	[tilespmem:s20+$0x15280] =	vst.add.f32.msk $0xffff, v3  }
0x60: {  	s24 =	sor.u32 $0x380, s24;
	[tilespmem:s20+$0x15300] =	vst.add.f32.msk $0xffff, v2  }
0x61: {  	v2 =	vld [tilespmem:s24+$0x0];
	_ =	sdelay $0x1  }
0x62: {  	v3 =	vld [tilespmem:s20+$0x3380];
	_ =	sdelay $0x1  }
0x63: {  	v4 =	vld [tilespmem:s20+$0x4B80]  }
0x64: {  	v1 =	vadd.f32 v1, v2  }
0x65: {  	v2 =	vld [tilespmem:s20+$0x6380]  }
0x66: {  	v1 =	vadd.f32 v3, v1  }
0x67: {  	v3 =	vld [tilespmem:s20+$0x7B80]  }
0x68: {  	v1 =	vadd.f32 v4, v1  }
0x69: {  	v4 =	vld [tilespmem:s20+$0x9380]  }
0x6a: {  	v1 =	vadd.f32 v2, v1;
	_ =	sdelay $0x1  }
0x6b: {  	v1 =	vadd.f32 v3, v1;
	_ =	sdelay $0x1  }
0x6c: {  	s22 =	sadd.s32 $0x80, s22;
	v1 =	vadd.f32 v4, v1  }
0x6d: {  	s25 =	sand.u32 $0x1C00, s22;
	s20 =	sand.u32 $0x70, s23  }
0x6e: {  	s20 =	sor.u32 s20, s25;
	[tilespmem:s24+$0x15000] =	vst.add.f32.msk $0xffff, v1  }
0x6f: {  	v1 =	vld [tilespmem:s20+$0x1B80]  }
0x70: {  	v10 =	vld [tilespmem:s20+$0x9000]  }
0x71: {  	v9 =	vld [tilespmem:s20+$0x9080]  }
0x72: {  	v8 =	vld [tilespmem:s20+$0x9100]  }
0x73: {  	v3 =	vld [tilespmem:s20+$0x9180]  }
0x74: {  	v2 =	vld [tilespmem:s20+$0x9200]  }
0x75: {  	v15 =	vld [tilespmem:s20+$0x7800]  }
0x76: {  	v14 =	vld [tilespmem:s20+$0x7880]  }
0x77: {  	v12 =	vld [tilespmem:s20+$0x7900]  }
0x78: {  	v5 =	vld [tilespmem:s20+$0x7980]  }
0x79: {  	v4 =	vld [tilespmem:s20+$0x7A00]  }
0x7a: {  	v22 =	vld [tilespmem:s20+$0x6000]  }
0x7b: {  	v24 =	vld [tilespmem:s20+$0x6080]  }
0x7c: {  	v16 =	vld [tilespmem:s20+$0x6100]  }
0x7d: {  	v7 =	vld [tilespmem:s20+$0x6180]  }
0x7e: {  	v6 =	vld [tilespmem:s20+$0x6200]  }
0x7f: {  	v20 =	vld [tilespmem:s20+$0x4800]  }
0x80: {  	v23 =	vld [tilespmem:s20+$0x4880]  }
0x81: {  	v26 =	vld [tilespmem:s20+$0x4900]  }
0x82: {  	v13 =	vld [tilespmem:s20+$0x4980]  }
0x83: {  	v11 =	vld [tilespmem:s20+$0x4A00]  }
0x84: {  	v19 =	vld [tilespmem:s20+$0x3000]  }
0x85: {  	v17 =	vld [tilespmem:s20+$0x1800]  }
0x86: {  	v18 =	vld [tilespmem:s20+$0x0]  }
0x87: {  	v21 =	vld [tilespmem:s20+$0x80]  }
0x88: {  	v25 =	vld [tilespmem:s20+$0x1880]  }
0x89: {  	v27 =	vld [tilespmem:s20+$0x100]  }
0x8a: {  	v28 =	vld [tilespmem:s20+$0x1900]  }
0x8b: {  	v29 =	vld [tilespmem:s20+$0x3080]  }
0x8c: {  	v30 =	vld [tilespmem:s20+$0x3100]  }
0x8d: {  	v31 =	vadd.f32 v17, v18;
	v18 =	vld [tilespmem:s20+$0x3180]  }
0x8e: {  	v21 =	vadd.f32 v25, v21;
	v17 =	vld [tilespmem:s20+$0x3200]  }
0x8f: {  	v25 =	vadd.f32 v19, v31;
	v27 =	vadd.f32 v28, v27;
	v19 =	vld [tilespmem:s20+$0x180]  }
.Ltmp1:
0x90: {  	v28 =	vadd.f32 v29, v21;
	v21 =	vld [tilespmem:s20+$0x1980];
	(pc) =	sbr.rel @p0 .LBB2_5-.Ltmp1, $4  }
0x91: {  	v25 =	vadd.f32 v20, v25;
	v27 =	vadd.f32 v30, v27;
	v20 =	vld [tilespmem:s20+$0x200]  }
0x92: {  	v28 =	vadd.f32 v23, v28;
	v23 =	vld [tilespmem:s20+$0x1A00]  }
0x93: {  	v25 =	vadd.f32 v22, v25;
	v27 =	vadd.f32 v26, v27;
	v22 =	vld [tilespmem:s20+$0x280]  }
0x94: {  	s23 =	sadd.s32 $0x10, s23;
	v26 =	vadd.f32 v24, v28;
	v24 =	vld [tilespmem:s20+$0x1A80]  }
0x95: {  	v15 =	vadd.f32 v15, v25;
	v16 =	vadd.f32 v16, v27;
	v25 =	vld [tilespmem:s20+$0x300]  }
0x96: {  	v14 =	vadd.f32 v14, v26;
	v26 =	vld [tilespmem:s20+$0x1B00]  }
0x97: {  	v10 =	vadd.f32 v10, v15;
	v12 =	vadd.f32 v12, v16;
	v15 =	vld [tilespmem:s20+$0x3280]  }
0x98: {  	v16 =	vld [tilespmem:s20+$0x3300];
	v9 =	vadd.f32 v9, v14;
	v14 =	vadd.f32 v21, v19  }
0x99: {  	v19 =	vld [tilespmem:s20+$0x4A80];
	v8 =	vadd.f32 v8, v12;
	v12 =	vadd.f32 v23, v20  }
0x9a: {  	v20 =	vld [tilespmem:s20+$0x4B00];
	v14 =	vadd.f32 v18, v14;
	v18 =	vadd.f32 v24, v22  }
0x9b: {  	v12 =	vadd.f32 v17, v12;
	v17 =	vld [tilespmem:s20+$0x6280];
	v21 =	vadd.f32 v26, v25  }
0x9c: {  	v13 =	vadd.f32 v13, v14;
	v14 =	vadd.f32 v15, v18;
	v15 =	vld [tilespmem:s20+$0x6300]  }
0x9d: {  	v11 =	vadd.f32 v11, v12;
	v12 =	vld [tilespmem:s20+$0x7A80];
	v16 =	vadd.f32 v16, v21  }
0x9e: {  	v7 =	vadd.f32 v7, v13;
	v13 =	vadd.f32 v19, v14;
	v14 =	vld [tilespmem:s20+$0x7B00]  }
0x9f: {  	v6 =	vadd.f32 v6, v11;
	v11 =	vld [tilespmem:s20+$0x9280];
	v16 =	vadd.f32 v20, v16  }
0xa0: {  	v5 =	vadd.f32 v5, v7;
	v7 =	vadd.f32 v17, v13;
	v13 =	vld [tilespmem:s20+$0x9300]  }
0xa1: {  	[tilespmem:s20+$0x15000] =	vst.add.f32.msk $0xffff, v10;
	v4 =	vadd.f32 v4, v6;
	v6 =	vadd.f32 v15, v16  }
0xa2: {  	[tilespmem:s20+$0x15080] =	vst.add.f32.msk $0xffff, v9;
	v3 =	vadd.f32 v3, v5;
	v5 =	vadd.f32 v12, v7  }
0xa3: {  	[tilespmem:s20+$0x15100] =	vst.add.f32.msk $0xffff, v8;
	v2 =	vadd.f32 v2, v4;
	v4 =	vadd.f32 v14, v6  }
0xa4: {  	[tilespmem:s20+$0x15180] =	vst.add.f32.msk $0xffff, v3;
	v3 =	vadd.f32 v11, v5  }
0xa5: {  	[tilespmem:s20+$0x15200] =	vst.add.f32.msk $0xffff, v2;
	v2 =	vadd.f32 v13, v4  }
0xa6: {  	s21 =	sor.u32 s22, s21;
	[tilespmem:s20+$0x15280] =	vst.add.f32.msk $0xffff, v3  }
0xa7: {  	s21 =	sor.u32 $0x380, s21;
	[tilespmem:s20+$0x15300] =	vst.add.f32.msk $0xffff, v2  }
0xa8: {  	v2 =	vld [tilespmem:s21+$0x0];
	_ =	sdelay $0x1  }
0xa9: {  	v3 =	vld [tilespmem:s20+$0x3380];
	_ =	sdelay $0x1  }
0xaa: {  	v4 =	vld [tilespmem:s20+$0x4B80]  }
0xab: {  	v1 =	vadd.f32 v1, v2  }
0xac: {  	v2 =	vld [tilespmem:s20+$0x6380]  }
0xad: {  	v1 =	vadd.f32 v3, v1  }
0xae: {  	v3 =	vld [tilespmem:s20+$0x7B80]  }
0xaf: {  	v1 =	vadd.f32 v4, v1  }
0xb0: {  	v4 =	vld [tilespmem:s20+$0x9380]  }
0xb1: {  	v1 =	vadd.f32 v2, v1;
	_ =	sdelay $0x1  }
0xb2: {  	v1 =	vadd.f32 v3, v1  }
0xb3: {  	p0 =	seq.s32 s18, $0x4  }
0xb4: {  	s19 =	sadd.s32 @!p0 s19, s6;
	v1 =	vadd.f32 v4, v1  }
0xb5: {  	s22 =	simm.s32 @!p0 $0x0;
	s19 =	sshrl.u32 @!p0 s19, $0x3  }
0xb6: {  	s19 =	sadd.s32 @!p0 s2, s19;
	s20 =	simm.s32 @!p0 $0x1800;
	[tilespmem:s21+$0x15000] =	vst.add.f32.msk $0xffff, v1;
	s21 =	simm.s32 @!p0 $0x30000  }
0xb7: {  	[tilespmem:s22], [sflag:$0x1] =	stream.strided.gather @!p0 [hbm4b:s19+s20], $0xA800, s21, s20, $0x38;
	[tilespmem:$0x16800] =	vst v63  }
0xb8: {  	s19 =	simm.s32 $0x0;
	_ =	swait.ge [sflag:s13], $0xA800  }
0xb9: {  	s30 =	sand.u32 $0x70, s19;
	s31 =	sand.u32 $0x1C00, s19;
	[sflag:s13] =	ssyncset.done $0x0  }
0xba: {  	s20 =	sor.u32 s30, s31;
	[sflag:s13] =	ssyncadd.s32 $0xFFFF5800  }
0xbb: {  	v1 =	vld [tilespmem:s20+$0xC380]  }
0xbc: {  	v10 =	vld [tilespmem:s20+$0x13800]  }
0xbd: {  	v9 =	vld [tilespmem:s20+$0x13880]  }
0xbe: {  	v8 =	vld [tilespmem:s20+$0x13900]  }
0xbf: {  	v3 =	vld [tilespmem:s20+$0x13980]  }
0xc0: {  	v2 =	vld [tilespmem:s20+$0x13A00]  }
0xc1: {  	v15 =	vld [tilespmem:s20+$0x12000]  }
0xc2: {  	v14 =	vld [tilespmem:s20+$0x12080]  }
0xc3: {  	v12 =	vld [tilespmem:s20+$0x12100]  }
0xc4: {  	v5 =	vld [tilespmem:s20+$0x12180]  }
0xc5: {  	v4 =	vld [tilespmem:s20+$0x12200]  }
0xc6: {  	v22 =	vld [tilespmem:s20+$0x10800]  }
0xc7: {  	v24 =	vld [tilespmem:s20+$0x10880]  }
0xc8: {  	v16 =	vld [tilespmem:s20+$0x10900]  }
0xc9: {  	v7 =	vld [tilespmem:s20+$0x10980]  }
0xca: {  	v6 =	vld [tilespmem:s20+$0x10A00]  }
0xcb: {  	v20 =	vld [tilespmem:s20+$0xF000]  }
0xcc: {  	v23 =	vld [tilespmem:s20+$0xF080]  }
0xcd: {  	v26 =	vld [tilespmem:s20+$0xF100]  }
0xce: {  	v13 =	vld [tilespmem:s20+$0xF180]  }
0xcf: {  	v11 =	vld [tilespmem:s20+$0xF200]  }
0xd0: {  	v19 =	vld [tilespmem:s20+$0xD800]  }
0xd1: {  	v17 =	vld [tilespmem:s20+$0xC000]  }
0xd2: {  	v18 =	vld [tilespmem:s20+$0xA800]  }
0xd3: {  	v21 =	vld [tilespmem:s20+$0xA880]  }
0xd4: {  	v25 =	vld [tilespmem:s20+$0xC080]  }
0xd5: {  	v27 =	vld [tilespmem:s20+$0xA900]  }
0xd6: {  	v28 =	vld [tilespmem:s20+$0xC100]  }
0xd7: {  	v29 =	vld [tilespmem:s20+$0xD880]  }
0xd8: {  	v30 =	vld [tilespmem:s20+$0xD900]  }
0xd9: {  	v31 =	vadd.f32 v17, v18;
	v18 =	vld [tilespmem:s20+$0xD980]  }
0xda: {  	v21 =	vadd.f32 v25, v21;
	v17 =	vld [tilespmem:s20+$0xDA00]  }
0xdb: {  	v27 =	vadd.f32 v28, v27;
	v25 =	vadd.f32 v19, v31;
	v19 =	vld [tilespmem:s20+$0xA980]  }
0xdc: {  	v28 =	vadd.f32 v29, v21;
	v21 =	vld [tilespmem:s20+$0xC180]  }
0xdd: {  	v27 =	vadd.f32 v30, v27;
	v25 =	vadd.f32 v20, v25;
	v20 =	vld [tilespmem:s20+$0xAA00]  }
0xde: {  	v28 =	vadd.f32 v23, v28;
	v23 =	vld [tilespmem:s20+$0xC200]  }
0xdf: {  	v27 =	vadd.f32 v26, v27;
	v25 =	vadd.f32 v22, v25;
	v22 =	vld [tilespmem:s20+$0xAA80]  }
0xe0: {  	s22 =	simm.s32 $0x10;
	s21 =	simm.s32 $0x0;
	v26 =	vadd.f32 v24, v28;
	v24 =	vld [tilespmem:s20+$0xC280]  }
.LBB2_7:
0xe1: {  	p0 =	sne.s32 s22, $0x2F0;
	v15 =	vadd.f32 v15, v25;
	v16 =	vadd.f32 v16, v27;
	v25 =	vld [tilespmem:s20+$0xAB00]  }
0xe2: {  	v14 =	vadd.f32 v14, v26;
	v26 =	vld [tilespmem:s20+$0xC300]  }
0xe3: {  	v10 =	vadd.f32 v10, v15;
	v12 =	vadd.f32 v12, v16;
	v15 =	vld [tilespmem:s20+$0xDA80]  }
0xe4: {  	v9 =	vadd.f32 v9, v14;
	v14 =	vadd.f32 v21, v19;
	v16 =	vld [tilespmem:s20+$0xDB00]  }
0xe5: {  	v8 =	vadd.f32 v8, v12;
	v12 =	vadd.f32 v23, v20;
	v19 =	vld [tilespmem:s20+$0xF280]  }
0xe6: {  	v14 =	vadd.f32 v18, v14;
	v18 =	vadd.f32 v24, v22;
	v20 =	vld [tilespmem:s20+$0xF300]  }
0xe7: {  	v12 =	vadd.f32 v17, v12;
	v17 =	vld [tilespmem:s20+$0x10A80];
	v21 =	vadd.f32 v26, v25  }
0xe8: {  	v13 =	vadd.f32 v13, v14;
	v14 =	vadd.f32 v15, v18;
	v15 =	vld [tilespmem:s20+$0x10B00]  }
0xe9: {  	v11 =	vadd.f32 v11, v12;
	v12 =	vld [tilespmem:s20+$0x12280];
	v16 =	vadd.f32 v16, v21  }
0xea: {  	v7 =	vadd.f32 v7, v13;
	v13 =	vadd.f32 v19, v14;
	v14 =	vld [tilespmem:s20+$0x12300]  }
0xeb: {  	v6 =	vadd.f32 v6, v11;
	v11 =	vld [tilespmem:s20+$0x13A80];
	v16 =	vadd.f32 v20, v16  }
0xec: {  	v5 =	vadd.f32 v5, v7;
	v7 =	vadd.f32 v17, v13;
	v13 =	vld [tilespmem:s20+$0x13B00]  }
0xed: {  	[tilespmem:s20+$0x15000] =	vst.add.f32.msk $0xffff, v10;
	v4 =	vadd.f32 v4, v6;
	v6 =	vadd.f32 v15, v16  }
0xee: {  	[tilespmem:s20+$0x15080] =	vst.add.f32.msk $0xffff, v9;
	v3 =	vadd.f32 v3, v5;
	v5 =	vadd.f32 v12, v7  }
0xef: {  	[tilespmem:s20+$0x15100] =	vst.add.f32.msk $0xffff, v8;
	v2 =	vadd.f32 v2, v4;
	v4 =	vadd.f32 v14, v6  }
0xf0: {  	[tilespmem:s20+$0x15180] =	vst.add.f32.msk $0xffff, v3;
	v3 =	vadd.f32 v11, v5  }
0xf1: {  	[tilespmem:s20+$0x15200] =	vst.add.f32.msk $0xffff, v2;
	v2 =	vadd.f32 v13, v4  }
0xf2: {  	s23 =	sor.u32 s21, s19;
	s19 =	smov.u32 s22;
	[tilespmem:s20+$0x15280] =	vst.add.f32.msk $0xffff, v3  }
0xf3: {  	s23 =	sor.u32 $0x380, s23;
	[tilespmem:s20+$0x15300] =	vst.add.f32.msk $0xffff, v2  }
0xf4: {  	v2 =	vld [tilespmem:s23+$0xA800];
	_ =	sdelay $0x1  }
0xf5: {  	v3 =	vld [tilespmem:s20+$0xDB80];
	_ =	sdelay $0x1  }
0xf6: {  	v4 =	vld [tilespmem:s20+$0xF380]  }
0xf7: {  	v1 =	vadd.f32 v1, v2  }
0xf8: {  	v2 =	vld [tilespmem:s20+$0x10B80]  }
0xf9: {  	v1 =	vadd.f32 v3, v1  }
0xfa: {  	v3 =	vld [tilespmem:s20+$0x12380]  }
0xfb: {  	v1 =	vadd.f32 v4, v1  }
0xfc: {  	v4 =	vld [tilespmem:s20+$0x13B80]  }
0xfd: {  	v1 =	vadd.f32 v2, v1;
	_ =	sdelay $0x1  }
0xfe: {  	v1 =	vadd.f32 v3, v1;
	_ =	sdelay $0x1  }
0xff: {  	s21 =	sadd.s32 $0x80, s21;
	v1 =	vadd.f32 v4, v1  }
0x100: {  	s24 =	sand.u32 $0x1C00, s21;
	s20 =	sand.u32 $0x70, s22  }
0x101: {  	s20 =	sor.u32 s20, s24;
	[tilespmem:s23+$0x15000] =	vst.add.f32.msk $0xffff, v1  }
0x102: {  	v1 =	vld [tilespmem:s20+$0xC380]  }
0x103: {  	v10 =	vld [tilespmem:s20+$0x13800]  }
0x104: {  	v9 =	vld [tilespmem:s20+$0x13880]  }
0x105: {  	v8 =	vld [tilespmem:s20+$0x13900]  }
0x106: {  	v3 =	vld [tilespmem:s20+$0x13980]  }
0x107: {  	v2 =	vld [tilespmem:s20+$0x13A00]  }
0x108: {  	v15 =	vld [tilespmem:s20+$0x12000]  }
0x109: {  	v14 =	vld [tilespmem:s20+$0x12080]  }
0x10a: {  	v12 =	vld [tilespmem:s20+$0x12100]  }
0x10b: {  	v5 =	vld [tilespmem:s20+$0x12180]  }
0x10c: {  	v4 =	vld [tilespmem:s20+$0x12200]  }
0x10d: {  	v22 =	vld [tilespmem:s20+$0x10800]  }
0x10e: {  	v24 =	vld [tilespmem:s20+$0x10880]  }
0x10f: {  	v16 =	vld [tilespmem:s20+$0x10900]  }
0x110: {  	v7 =	vld [tilespmem:s20+$0x10980]  }
0x111: {  	v6 =	vld [tilespmem:s20+$0x10A00]  }
0x112: {  	v20 =	vld [tilespmem:s20+$0xF000]  }
0x113: {  	v23 =	vld [tilespmem:s20+$0xF080]  }
0x114: {  	v26 =	vld [tilespmem:s20+$0xF100]  }
0x115: {  	v13 =	vld [tilespmem:s20+$0xF180]  }
0x116: {  	v11 =	vld [tilespmem:s20+$0xF200]  }
0x117: {  	v19 =	vld [tilespmem:s20+$0xD800]  }
0x118: {  	v17 =	vld [tilespmem:s20+$0xC000]  }
0x119: {  	v18 =	vld [tilespmem:s20+$0xA800]  }
0x11a: {  	v21 =	vld [tilespmem:s20+$0xA880]  }
0x11b: {  	v25 =	vld [tilespmem:s20+$0xC080]  }
0x11c: {  	v27 =	vld [tilespmem:s20+$0xA900]  }
0x11d: {  	v28 =	vld [tilespmem:s20+$0xC100]  }
0x11e: {  	v29 =	vld [tilespmem:s20+$0xD880]  }
0x11f: {  	v30 =	vld [tilespmem:s20+$0xD900]  }
0x120: {  	v31 =	vadd.f32 v17, v18;
	v18 =	vld [tilespmem:s20+$0xD980]  }
0x121: {  	v21 =	vadd.f32 v25, v21;
	v17 =	vld [tilespmem:s20+$0xDA00]  }
0x122: {  	v25 =	vadd.f32 v19, v31;
	v27 =	vadd.f32 v28, v27;
	v19 =	vld [tilespmem:s20+$0xA980]  }
.Ltmp2:
0x123: {  	v28 =	vadd.f32 v29, v21;
	v21 =	vld [tilespmem:s20+$0xC180];
	(pc) =	sbr.rel @p0 .LBB2_7-.Ltmp2, $4  }
0x124: {  	v25 =	vadd.f32 v20, v25;
	v27 =	vadd.f32 v30, v27;
	v20 =	vld [tilespmem:s20+$0xAA00]  }
0x125: {  	v28 =	vadd.f32 v23, v28;
	v23 =	vld [tilespmem:s20+$0xC200]  }
0x126: {  	v25 =	vadd.f32 v22, v25;
	v27 =	vadd.f32 v26, v27;
	v22 =	vld [tilespmem:s20+$0xAA80]  }
0x127: {  	s22 =	sadd.s32 $0x10, s22;
	v26 =	vadd.f32 v24, v28;
	v24 =	vld [tilespmem:s20+$0xC280]  }
0x128: {  	v15 =	vadd.f32 v15, v25;
	v40 =	vld [tilespmem:s20+$0xAB00]  }
0x129: {  	v16 =	vadd.f32 v16, v27;
	v41 =	vld [tilespmem:s20+$0xC300];
	v43 =	vadd.f32 v21, v19  }
0x12a: {  	v42 =	vld [tilespmem:s20+$0xDA80];
	v14 =	vadd.f32 v14, v26;
	v10 =	vadd.f32 v10, v15  }
0x12b: {  	v44 =	vld [tilespmem:s20+$0xDB00];
	v12 =	vadd.f32 v12, v16;
	v45 =	vadd.f32 v23, v20  }
0x12c: {  	v46 =	vld [tilespmem:s20+$0xF280];
	v9 =	vadd.f32 v9, v14;
	v14 =	vadd.f32 v18, v43  }
0x12d: {  	v48 =	vld [tilespmem:s20+$0xF300];
	v8 =	vadd.f32 v8, v12;
	v47 =	vadd.f32 v24, v22  }
0x12e: {  	v49 =	vld [tilespmem:s20+$0x10A80];
	v12 =	vadd.f32 v17, v45;
	v50 =	vadd.f32 v41, v40  }
0x12f: {  	v52 =	vld [tilespmem:s20+$0x10B00];
	v13 =	vadd.f32 v13, v14;
	v51 =	vadd.f32 v42, v47  }
0x130: {  	v53 =	vld [tilespmem:s20+$0x12280];
	v11 =	vadd.f32 v11, v12;
	v16 =	vadd.f32 v44, v50  }
0x131: {  	v55 =	vld [tilespmem:s20+$0x12300];
	v7 =	vadd.f32 v7, v13;
	v54 =	vadd.f32 v46, v51  }
0x132: {  	v56 =	vld [tilespmem:s20+$0x13A80];
	v6 =	vadd.f32 v6, v11;
	v16 =	vadd.f32 v48, v16  }
0x133: {  	v58 =	vld [tilespmem:s20+$0x13B00];
	v5 =	vadd.f32 v5, v7;
	v57 =	vadd.f32 v49, v54  }
0x134: {  	[tilespmem:s20+$0x15000] =	vst.add.f32.msk $0xffff, v10;
	v4 =	vadd.f32 v4, v6;
	v59 =	vadd.f32 v52, v16  }
0x135: {  	[tilespmem:s20+$0x15080] =	vst.add.f32.msk $0xffff, v9;
	v3 =	vadd.f32 v3, v5;
	v60 =	vadd.f32 v53, v57  }
0x136: {  	[tilespmem:s20+$0x15100] =	vst.add.f32.msk $0xffff, v8;
	v2 =	vadd.f32 v2, v4;
	v61 =	vadd.f32 v55, v59  }
0x137: {  	[tilespmem:s20+$0x15180] =	vst.add.f32.msk $0xffff, v3;
	v3 =	vadd.f32 v56, v60  }
0x138: {  	[tilespmem:s20+$0x15200] =	vst.add.f32.msk $0xffff, v2;
	v2 =	vadd.f32 v58, v61  }
0x139: {  	s19 =	sor.u32 s21, s19;
	[tilespmem:s20+$0x15280] =	vst.add.f32.msk $0xffff, v3  }
0x13a: {  	s19 =	sor.u32 $0x380, s19;
	[tilespmem:s20+$0x15300] =	vst.add.f32.msk $0xffff, v2  }
0x13b: {  	v2 =	vld [tilespmem:s19+$0xA800];
	_ =	sdelay $0x1  }
0x13c: {  	v3 =	vld [tilespmem:s20+$0xDB80];
	_ =	sdelay $0x1  }
0x13d: {  	v62 =	vld [tilespmem:s20+$0xF380]  }
0x13e: {  	v1 =	vadd.f32 v1, v2  }
0x13f: {  	v2 =	vld [tilespmem:s20+$0x10B80]  }
0x140: {  	v1 =	vadd.f32 v3, v1  }
0x141: {  	v3 =	vld [tilespmem:s20+$0x12380]  }
0x142: {  	v1 =	vadd.f32 v62, v1  }
0x143: {  	v63 =	vld [tilespmem:s20+$0x13B80]  }
0x144: {  	s18 =	sadd.s32 $0x1, s18;
	v1 =	vadd.f32 v2, v1  }
0x145: {  	p0 =	sne.s32 s18, $0x5  }
.Ltmp3:
0x146: {  	v1 =	vadd.f32 v3, v1;
	(pc) =	sbr.rel @p0 .LBB2_4-.Ltmp3, $3  }
0x147: {  	_ = 	snop  }
0x148: {  	v1 =	vadd.f32 v63, v1;
	_ =	sdelay $0x1  }
0x149: {  	[tilespmem:s19+$0x15000] =	vst.add.f32.msk $0xffff, v1  }
0x14a: {  	s16 =	sadd.s32 $0x1, s16  }
0x14b: {  	p0 =	sne.s32 s16, s8  }
.Ltmp4:
0x14c: {  	_ = 	snop;
	(pc) =	sbr.rel @p0 .LBB2_1-.Ltmp4, $4  }
0x14d: {  	[hbm4b:s7+s3] =	stream.linear.scatter [tilespmem:s14], [sflag:$0x3], $0x1800, $0x38;
	[tilespmem:$0x16800] =	vst v63  }
0x14e: {  	_ =	swait.ge [sflag:s15], $0x1800  }
0x14f: {  	[sflag:s15] =	ssyncset.done $0x0  }
0x150: {  	[sflag:s15] =	ssyncadd.s32 $0xFFFFE800  }
0x151: {  	_ =	sfence.sel $0x180000  }
0x152: {  	[bflag:$0x0] =	sbarrier.arrive $0xFFFF  }
0x153: {  	p0 =	sne.s32 s0, $0x0;
	_ =	strace $0x90000047  }
0x154: {  	s0 =	sadd.s32 @!p0 $0x100000, s1;
	[bflag:$0x2] =	sbarrier.arrive $0xFFFF  }
0x155: {  	[sflag:s0] =	ssyncadd.tile.s32 @!p0 $0x1;
	_ =	shalt  }
.Lfunc_end2:
_tile_overlayer_lowered:
.L_overlay_start_2:
0x156: {  	(tag) =	ssettag $0x2  }
0x157: {  	s0 =	rddreg [dreg:$0x0];
	s2 =	stileid.u32  }
0x158: {  	s1 =	rddreg [dreg:$0x1];
	p0 =	sne.s32 s2, $0x0  }
0x159: {  	s3 =	rddreg [dreg:$0x2];
	[bflag:$0x3] =	sbarrier.arrive $0xFFFF;
	s2 =	simm.s32 @!p0 $0x1C03  }
0x15a: {  	[timem:s3], [sflag:s2] =	dma.local @!p0 [hbm:s0], s1  }
0x15b: {  	s0 =	simm.s32 @!p0 $0x3  }
0x15c: {  	_ =	swait.ge @!p0 [sflag:s0], s1  }
0x15d: {  	s1 =	ssub.s32 @!p0 $0x0, s1;
	[sflag:s0] =	ssyncset.done @!p0 $0x0  }
0x15e: {  	[sflag:s0] =	ssyncadd.s32 @!p0 s1  }
0x15f: {  	[bflag:$0x3] =	sbarrier.arrive $0xFFFF  }
0x160: {  	_ =	shalt  }

</sc_bundles>
